<compile_context>
chip_gen: v7x
topology: tpu7x:2x2x1
jax: 0.10.2.dev20260603
libtpu: 0.0.44.dev20260713+nightly
codegen_flags: <defaults>
</compile_context>

<pallas_src>
import jax
import jax.numpy as jnp
from jax import lax
from jax.experimental import pallas as pl
from jax.experimental.pallas import tpu as pltpu
from jax.experimental.pallas import tpu_sc as plsc

VOCAB = 1000000
HID = 64
MAXPOS = 200
B = 4096
L = 200

NC = 2
NS = 16
NW = NC * NS
BB = B // NW
NBB = BB // 16
NQ = HID // 16


def _body(ids_hbm, vec_hbm, wtab_hbm, ptab_hbm, out_hbm,
          idx_all, in0, in1, in2, o0, o1, o2, pos_v,
          gsem0, gsem1, gsem2, osem0, osem1, osem2, vsem):
  wid = lax.axis_index("s") * NC + lax.axis_index("c")
  b0 = wid * BB

  slab_in = (in0, in1, in2)
  slab_out = (o0, o1, o2)
  gsem = (gsem0, gsem1, gsem2)
  osem = (osem0, osem1, osem2)

  iota = lax.broadcasted_iota(jnp.int32, (16,), 0)
  brow = [iota + bb * 16 for bb in range(NBB)]

  def prep_and_issue_gather(s, b):
    for k in range(4):
      pltpu.async_copy(
          wtab_hbm.at[idx_all.at[s, pl.ds(k * (BB // 4), BB // 4)]],
          slab_in[b].at[pl.ds(k * (BB // 4), BB // 4)],
          gsem[b])

  def wait_gather(b):
    pltpu.make_async_copy(wtab_hbm.at[pl.ds(0, BB)],
                          slab_in[b],
                          gsem[b]).wait()

  def issue_out(s, b):
    pltpu.async_copy(slab_out[b], out_hbm.at[1 + s, :, pl.ds(b0, BB)],
                     osem[b])

  def wait_out(b):
    pltpu.make_async_copy(slab_out[b], out_hbm.at[0, :, pl.ds(b0, BB)],
                          osem[b]).wait()

  pltpu.sync_copy(ids_hbm.at[:, pl.ds(b0, BB)], idx_all)
  pltpu.sync_copy(ptab_hbm.at[pl.ds(0, L)], pos_v)

  pltpu.sync_copy(vec_hbm.at[:, pl.ds(b0, BB)], slab_out[0])
  pltpu.async_copy(slab_out[0], out_hbm.at[0, :, pl.ds(b0, BB)], vsem)
  pltpu.make_async_copy(slab_out[0], out_hbm.at[0, :, pl.ds(b0, BB)],
                        vsem).wait()

  prep_and_issue_gather(0, 0)
  prep_and_issue_gather(1, 1)

  @pl.loop(0, (L + 2) // 3)
  def _tri(gg):
    for r in range(3):
      s = gg * 3 + r

      @pl.when(s + 2 < L)
      def _():
        prep_and_issue_gather(s + 2, (r + 2) % 3)

      @pl.when(s < L)
      def _():
        wait_gather(r)

        @pl.when(s >= 3)
        def _():
          wait_out(r)

        svec = jnp.full((16,), s, jnp.int32)

        @plsc.parallel_loop(0, HID, unroll=4)
        def _t(t):
          tvec = jnp.full((16,), t, jnp.int32)
          colv = lax.bitwise_and(iota + tvec, 15) + lax.bitwise_and(tvec, 48)
          p = plsc.load_gather(pos_v, [svec, colv])
          for bb in range(NBB):
            y = plsc.load_gather(slab_in[r], [brow[bb], colv]) + p
            plsc.store_scatter(slab_out[r], [colv, brow[bb]], y)

        issue_out(s, r)

  wait_out(0)
  wait_out(1)
  wait_out(2)


def kernel(input_ids, vectors, word_table, pos_table):
  ids_t = input_ids.T
  vec_t = vectors.T
  wtab2 = jnp.pad(word_table, ((0, 0), (0, 128 - HID)))
  pos_block = lax.slice_in_dim(pos_table, 1, MAXPOS + 1, axis=0)
  mesh = plsc.VectorSubcoreMesh(core_axis_name="c", subcore_axis_name="s",
                                num_cores=NC, num_subcores=NS)
  out_t = pl.kernel(
      _body,
      out_type=jax.ShapeDtypeStruct((MAXPOS + 1, HID, B), jnp.float32),
      mesh=mesh,
      compiler_params=pltpu.CompilerParams(needs_layout_passes=False),
      scratch_types=[
          pltpu.VMEM((L, BB), jnp.int32),
          pltpu.VMEM((BB, 128), jnp.float32),
          pltpu.VMEM((BB, 128), jnp.float32),
          pltpu.VMEM((BB, 128), jnp.float32),
          pltpu.VMEM((HID, BB), jnp.float32),
          pltpu.VMEM((HID, BB), jnp.float32),
          pltpu.VMEM((HID, BB), jnp.float32),
          pltpu.VMEM((L, HID), jnp.float32),
          pltpu.SemaphoreType.DMA,
          pltpu.SemaphoreType.DMA,
          pltpu.SemaphoreType.DMA,
          pltpu.SemaphoreType.DMA,
          pltpu.SemaphoreType.DMA,
          pltpu.SemaphoreType.DMA,
          pltpu.SemaphoreType.DMA,
      ],
  )(ids_t, vec_t, wtab2, pos_block)
  return jnp.transpose(out_t, (2, 0, 1))

# --- scband reference (transcript-rebuilt; emitter-appended) ---
"""Pipeline reference for scband-vector-first-embeddings-6339371729223 (READ-ONLY COPY).

The authoritative reference and input builder live on the scoring server;
editing this copy changes nothing except your own understanding.
"""

import jax, jax.numpy as jnp
import numpy as np

VOCAB = 1000000
HID = 64
MAXPOS = 200
PAD = 0
B = 4096
L = 200


def setup_inputs(seed: int = 0) -> dict:
    key = jax.random.key(seed)
    k1, k2, k3, k4 = jax.random.split(key, 4)
    input_ids = jax.random.randint(k1, (B, L), 0, VOCAB)
    vectors = jax.random.normal(k2, (B, HID), dtype=jnp.float32)
    word_table = jax.random.normal(k3, (VOCAB, HID), dtype=jnp.float32) * 0.02
    word_table = word_table.at[PAD].set(0.0)  # nn.Embedding padding_idx row is zero
    pos_table = jax.random.normal(k4, (MAXPOS + 1, HID), dtype=jnp.float32) * 0.02
    pos_table = pos_table.at[PAD].set(0.0)
    return {"input_ids": input_ids, "vectors": vectors, "word_table": word_table, "pos_table": pos_table}


def reference(input_ids, vectors, word_table, pos_table):
    # All rows are full-length L (dense tensor input), so max_length == L and no padding is added.
    L_ = input_ids.shape[1]
    # position_ids per the module: range(padding_idx+1, len(x)+padding_idx+1)
    position_ids = jnp.broadcast_to(jnp.arange(PAD + 1, L_ + PAD + 1, dtype=jnp.int32), input_ids.shape)
    position_embeddings = jnp.take(pos_table, position_ids, axis=0)
    inputs_embeds = jnp.take(word_table, input_ids, axis=0)
    inputs_embeds = inputs_embeds + position_embeddings
    v = vectors[:, None, :].astype(inputs_embeds.dtype)
    embeddings = jnp.concatenate((v, inputs_embeds), axis=1)
    # VariationalNormalEpanechnikovDropout is identity in eval mode
    return embeddings

if __name__ == "__main__":
    import jax
    _d = setup_inputs()
    print(jax.jit(kernel)(*tuple(_d.values())))

</pallas_src>

<mosaic_0001>
#map = affine_map<(d0, d1) -> (0, 0)>
#map1 = affine_map<(d0, d1) -> (0, 0, 0)>
module attributes {stable_mosaic.version = 14 : i64} {
  func.func @_body(%arg0: i32, %arg1: i32, %arg2: memref<200x4096xi32, #tpu.memory_space<hbm>>, %arg3: memref<64x4096xf32, #tpu.memory_space<hbm>>, %arg4: memref<1000000x128xf32, #tpu.memory_space<hbm>>, %arg5: memref<200x64xf32, #tpu.memory_space<hbm>>, %arg6: memref<201x64x4096xf32, #tpu.memory_space<hbm>>, %arg7: memref<200x128xi32, #tpu.memory_space<vmem>>, %arg8: memref<128x128xf32, #tpu.memory_space<vmem>>, %arg9: memref<128x128xf32, #tpu.memory_space<vmem>>, %arg10: memref<128x128xf32, #tpu.memory_space<vmem>>, %arg11: memref<64x128xf32, #tpu.memory_space<vmem>>, %arg12: memref<64x128xf32, #tpu.memory_space<vmem>>, %arg13: memref<64x128xf32, #tpu.memory_space<vmem>>, %arg14: memref<200x64xf32, #tpu.memory_space<vmem>>, %arg15: memref<!tpu.dma_semaphore, #tpu.memory_space<semaphore_mem>>, %arg16: memref<!tpu.dma_semaphore, #tpu.memory_space<semaphore_mem>>, %arg17: memref<!tpu.dma_semaphore, #tpu.memory_space<semaphore_mem>>, %arg18: memref<!tpu.dma_semaphore, #tpu.memory_space<semaphore_mem>>, %arg19: memref<!tpu.dma_semaphore, #tpu.memory_space<semaphore_mem>>, %arg20: memref<!tpu.dma_semaphore, #tpu.memory_space<semaphore_mem>>, %arg21: memref<!tpu.dma_semaphore, #tpu.memory_space<semaphore_mem>>) attributes {dimension_semantics = [#tpu.dimension_semantics<core_parallel>, #tpu.dimension_semantics<subcore_parallel>], iteration_bounds = array<i64: 2, 16>, scalar_prefetch = 0 : i64, scratch_operands = 15 : i64, tpu.core_type = #tpu.core_type<sc_vector_subcore>, window_params = [{transform_indices = #map}, {transform_indices = #map}, {transform_indices = #map}, {transform_indices = #map}, {transform_indices = #map1}]} {
    %mul3A = arith.constant 2 : i32
    %mul3A_0 = arith.muli %arg1, %mul3A : i32
    %add3A = arith.addi %mul3A_0, %arg0 : i32
    %mul3A_1 = arith.constant 128 : i32
    %mul3A_2 = arith.muli %add3A, %mul3A_1 : i32
    %iota3A = tpu.iota {dimensions = array<i32: 0>} : vector<16xi32>
    %add3A_3 = arith.constant 0 : i32
    %add3A_4 = vector.broadcast %add3A_3 : i32 to vector<16xi32>
    %add3A_5 = arith.addi %iota3A, %add3A_4 : vector<16xi32>
    %add3A_6 = arith.constant 16 : i32
    %add3A_7 = vector.broadcast %add3A_6 : i32 to vector<16xi32>
    %add3A_8 = arith.addi %iota3A, %add3A_7 : vector<16xi32>
    %add3A_9 = arith.constant 32 : i32
    %add3A_10 = vector.broadcast %add3A_9 : i32 to vector<16xi32>
    %add3A_11 = arith.addi %iota3A, %add3A_10 : vector<16xi32>
    %add3A_12 = arith.constant 48 : i32
    %add3A_13 = vector.broadcast %add3A_12 : i32 to vector<16xi32>
    %add3A_14 = arith.addi %iota3A, %add3A_13 : vector<16xi32>
    %add3A_15 = arith.constant 64 : i32
    %add3A_16 = vector.broadcast %add3A_15 : i32 to vector<16xi32>
    %add3A_17 = arith.addi %iota3A, %add3A_16 : vector<16xi32>
    %add3A_18 = arith.constant 80 : i32
    %add3A_19 = vector.broadcast %add3A_18 : i32 to vector<16xi32>
    %add3A_20 = arith.addi %iota3A, %add3A_19 : vector<16xi32>
    %add3A_21 = arith.constant 96 : i32
    %add3A_22 = vector.broadcast %add3A_21 : i32 to vector<16xi32>
    %add3A_23 = arith.addi %iota3A, %add3A_22 : vector<16xi32>
    %add3A_24 = arith.constant 112 : i32
    %add3A_25 = vector.broadcast %add3A_24 : i32 to vector<16xi32>
    %add3A_26 = arith.addi %iota3A, %add3A_25 : vector<16xi32>
    "tpu.region"() ({
      %run_scoped3A = tpu.sem_alloc : memref<!tpu.dma_semaphore, #tpu.memory_space<semaphore_mem>>
      %dma_start3A_144 = arith.constant 0 : i32
      %dma_start3A_145 = tpu.memref_slice %arg2[%dma_start3A_144, %mul3A_2] : memref<200x4096xi32, #tpu.memory_space<hbm>> -> memref<200x128xi32, #tpu.memory_space<hbm>>
      %dma_start3A_146 = arith.constant 0 : i32
      %dma_start3A_147 = tpu.memref_slice %arg2[%dma_start3A_146, %mul3A_2] : memref<200x4096xi32, #tpu.memory_space<hbm>> -> memref<200x128xi32, #tpu.memory_space<hbm>>
      tpu.enqueue_dma source(%dma_start3A_147 : memref<200x128xi32, #tpu.memory_space<hbm>>) target(%arg7 : memref<200x128xi32, #tpu.memory_space<vmem>>) target_semaphore(%run_scoped3A : memref<!tpu.dma_semaphore, #tpu.memory_space<semaphore_mem>>)
      %dma_wait3A_148 = arith.constant 0 : i32
      %dma_wait3A_149 = tpu.memref_slice %arg2[%dma_wait3A_148, %mul3A_2] : memref<200x4096xi32, #tpu.memory_space<hbm>> -> memref<200x128xi32, #tpu.memory_space<hbm>>
      %dma_wait3A_150 = arith.constant 0 : i32
      %dma_wait3A_151 = tpu.memref_slice %arg2[%dma_wait3A_150, %mul3A_2] : memref<200x4096xi32, #tpu.memory_space<hbm>> -> memref<200x128xi32, #tpu.memory_space<hbm>>
      tpu.wait_dma2 semaphore(%run_scoped3A : memref<!tpu.dma_semaphore, #tpu.memory_space<semaphore_mem>>) src(%dma_wait3A_151 : memref<200x128xi32, #tpu.memory_space<hbm>>) dst(%arg7 : memref<200x128xi32, #tpu.memory_space<vmem>>)
      tpu.yield
    }) : () -> ()
    "tpu.region"() ({
      %run_scoped3A = tpu.sem_alloc : memref<!tpu.dma_semaphore, #tpu.memory_space<semaphore_mem>>
      %dma_start3A_144 = arith.constant 0 : i32
      %dma_start3A_145 = arith.constant 0 : i32
      %dma_start3A_146 = tpu.memref_slice %arg5[%dma_start3A_144, %dma_start3A_145] : memref<200x64xf32, #tpu.memory_space<hbm>> -> memref<200x64xf32, #tpu.memory_space<hbm>>
      %dma_start3A_147 = arith.constant 0 : i32
      %dma_start3A_148 = arith.constant 0 : i32
      %dma_start3A_149 = tpu.memref_slice %arg5[%dma_start3A_147, %dma_start3A_148] : memref<200x64xf32, #tpu.memory_space<hbm>> -> memref<200x64xf32, #tpu.memory_space<hbm>>
      tpu.enqueue_dma source(%dma_start3A_149 : memref<200x64xf32, #tpu.memory_space<hbm>>) target(%arg14 : memref<200x64xf32, #tpu.memory_space<vmem>>) target_semaphore(%run_scoped3A : memref<!tpu.dma_semaphore, #tpu.memory_space<semaphore_mem>>)
      %dma_wait3A_150 = arith.constant 0 : i32
      %dma_wait3A_151 = arith.constant 0 : i32
      %dma_wait3A_152 = tpu.memref_slice %arg5[%dma_wait3A_150, %dma_wait3A_151] : memref<200x64xf32, #tpu.memory_space<hbm>> -> memref<200x64xf32, #tpu.memory_space<hbm>>
      %dma_wait3A_153 = arith.constant 0 : i32
      %dma_wait3A_154 = arith.constant 0 : i32
      %dma_wait3A_155 = tpu.memref_slice %arg5[%dma_wait3A_153, %dma_wait3A_154] : memref<200x64xf32, #tpu.memory_space<hbm>> -> memref<200x64xf32, #tpu.memory_space<hbm>>
      tpu.wait_dma2 semaphore(%run_scoped3A : memref<!tpu.dma_semaphore, #tpu.memory_space<semaphore_mem>>) src(%dma_wait3A_155 : memref<200x64xf32, #tpu.memory_space<hbm>>) dst(%arg14 : memref<200x64xf32, #tpu.memory_space<vmem>>)
      tpu.yield
    }) : () -> ()
    "tpu.region"() ({
      %run_scoped3A = tpu.sem_alloc : memref<!tpu.dma_semaphore, #tpu.memory_space<semaphore_mem>>
      %dma_start3A_144 = arith.constant 0 : i32
      %dma_start3A_145 = tpu.memref_slice %arg3[%dma_start3A_144, %mul3A_2] : memref<64x4096xf32, #tpu.memory_space<hbm>> -> memref<64x128xf32, #tpu.memory_space<hbm>>
      %dma_start3A_146 = arith.constant 0 : i32
      %dma_start3A_147 = tpu.memref_slice %arg3[%dma_start3A_146, %mul3A_2] : memref<64x4096xf32, #tpu.memory_space<hbm>> -> memref<64x128xf32, #tpu.memory_space<hbm>>
      tpu.enqueue_dma source(%dma_start3A_147 : memref<64x128xf32, #tpu.memory_space<hbm>>) target(%arg11 : memref<64x128xf32, #tpu.memory_space<vmem>>) target_semaphore(%run_scoped3A : memref<!tpu.dma_semaphore, #tpu.memory_space<semaphore_mem>>)
      %dma_wait3A_148 = arith.constant 0 : i32
      %dma_wait3A_149 = tpu.memref_slice %arg3[%dma_wait3A_148, %mul3A_2] : memref<64x4096xf32, #tpu.memory_space<hbm>> -> memref<64x128xf32, #tpu.memory_space<hbm>>
      %dma_wait3A_150 = arith.constant 0 : i32
      %dma_wait3A_151 = tpu.memref_slice %arg3[%dma_wait3A_150, %mul3A_2] : memref<64x4096xf32, #tpu.memory_space<hbm>> -> memref<64x128xf32, #tpu.memory_space<hbm>>
      tpu.wait_dma2 semaphore(%run_scoped3A : memref<!tpu.dma_semaphore, #tpu.memory_space<semaphore_mem>>) src(%dma_wait3A_151 : memref<64x128xf32, #tpu.memory_space<hbm>>) dst(%arg11 : memref<64x128xf32, #tpu.memory_space<vmem>>)
      tpu.yield
    }) : () -> ()
    %dma_start3A = arith.constant 0 : i32
    %dma_start3A_27 = arith.constant 0 : i32
    %dma_start3A_28 = tpu.memref_slice %arg6[%dma_start3A, %dma_start3A_27, %mul3A_2] : memref<201x64x4096xf32, #tpu.memory_space<hbm>> -> memref<1x64x128xf32, #tpu.memory_space<hbm>>
    %dma_start3A_29 = tpu.memref_squeeze %dma_start3A_28 : memref<1x64x128xf32, #tpu.memory_space<hbm>> -> memref<64x128xf32, #tpu.memory_space<hbm>>
    %dma_start3A_30 = arith.constant 0 : i32
    %dma_start3A_31 = tpu.memref_slice %arg6[%dma_start3A, %dma_start3A_30, %mul3A_2] : memref<201x64x4096xf32, #tpu.memory_space<hbm>> -> memref<1x64x128xf32, #tpu.memory_space<hbm>>
    %dma_start3A_32 = tpu.memref_squeeze %dma_start3A_31 : memref<1x64x128xf32, #tpu.memory_space<hbm>> -> memref<64x128xf32, #tpu.memory_space<hbm>>
    tpu.enqueue_dma source(%arg11 : memref<64x128xf32, #tpu.memory_space<vmem>>) target(%dma_start3A_32 : memref<64x128xf32, #tpu.memory_space<hbm>>) target_semaphore(%arg21 : memref<!tpu.dma_semaphore, #tpu.memory_space<semaphore_mem>>)
    %dma_wait3A = arith.constant 0 : i32
    %dma_wait3A_33 = arith.constant 0 : i32
    %dma_wait3A_34 = tpu.memref_slice %arg6[%dma_wait3A, %dma_wait3A_33, %mul3A_2] : memref<201x64x4096xf32, #tpu.memory_space<hbm>> -> memref<1x64x128xf32, #tpu.memory_space<hbm>>
    %dma_wait3A_35 = tpu.memref_squeeze %dma_wait3A_34 : memref<1x64x128xf32, #tpu.memory_space<hbm>> -> memref<64x128xf32, #tpu.memory_space<hbm>>
    %dma_wait3A_36 = arith.constant 0 : i32
    %dma_wait3A_37 = tpu.memref_slice %arg6[%dma_wait3A, %dma_wait3A_36, %mul3A_2] : memref<201x64x4096xf32, #tpu.memory_space<hbm>> -> memref<1x64x128xf32, #tpu.memory_space<hbm>>
    %dma_wait3A_38 = tpu.memref_squeeze %dma_wait3A_37 : memref<1x64x128xf32, #tpu.memory_space<hbm>> -> memref<64x128xf32, #tpu.memory_space<hbm>>
    tpu.wait_dma2 semaphore(%arg21 : memref<!tpu.dma_semaphore, #tpu.memory_space<semaphore_mem>>) src(%arg11 : memref<64x128xf32, #tpu.memory_space<vmem>>) dst(%dma_wait3A_38 : memref<64x128xf32, #tpu.memory_space<hbm>>)
    %dma_start3A_39 = arith.constant 0 : i32
    %dma_start3A_40 = arith.constant 0 : i32
    %dma_start3A_41 = arith.constant 0 : i32
    %dma_start3A_42 = tpu.memref_slice %arg8[%dma_start3A_40, %dma_start3A_41] : memref<128x128xf32, #tpu.memory_space<vmem>> -> memref<32x128xf32, #tpu.memory_space<vmem>>
    %dma_start3A_43 = arith.constant 0 : i32
    %dma_start3A_44 = tpu.memref_slice %arg7[%dma_start3A_39, %dma_start3A_43] : memref<200x128xi32, #tpu.memory_space<vmem>> -> memref<1x32xi32, #tpu.memory_space<vmem>>
    %dma_start3A_45 = tpu.memref_squeeze %dma_start3A_44 : memref<1x32xi32, #tpu.memory_space<vmem>> -> memref<32xi32, #tpu.memory_space<vmem>>
    %dma_start3A_46 = arith.constant 0 : i32
    %dma_start3A_47 = arith.constant 0 : i32
    %dma_start3A_48 = tpu.memref_slice %arg4[%dma_start3A_46, %dma_start3A_47] : memref<1000000x128xf32, #tpu.memory_space<hbm>> -> memref<1000000x128xf32, #tpu.memory_space<hbm>>
    tpu.enqueue_indirect_dma source(%dma_start3A_48 : memref<1000000x128xf32, #tpu.memory_space<hbm>>) target(%dma_start3A_42 : memref<32x128xf32, #tpu.memory_space<vmem>>) offsets(%dma_start3A_45 : memref<32xi32, #tpu.memory_space<vmem>>) semaphore(%arg15 : memref<!tpu.dma_semaphore, #tpu.memory_space<semaphore_mem>>)
    %dma_start3A_49 = arith.constant 0 : i32
    %dma_start3A_50 = arith.constant 32 : i32
    %dma_start3A_51 = arith.constant 0 : i32
    %dma_start3A_52 = tpu.memref_slice %arg8[%dma_start3A_50, %dma_start3A_51] : memref<128x128xf32, #tpu.memory_space<vmem>> -> memref<32x128xf32, #tpu.memory_space<vmem>>
    %dma_start3A_53 = arith.constant 32 : i32
    %dma_start3A_54 = tpu.memref_slice %arg7[%dma_start3A_49, %dma_start3A_53] : memref<200x128xi32, #tpu.memory_space<vmem>> -> memref<1x32xi32, #tpu.memory_space<vmem>>
    %dma_start3A_55 = tpu.memref_squeeze %dma_start3A_54 : memref<1x32xi32, #tpu.memory_space<vmem>> -> memref<32xi32, #tpu.memory_space<vmem>>
    %dma_start3A_56 = arith.constant 0 : i32
    %dma_start3A_57 = arith.constant 0 : i32
    %dma_start3A_58 = tpu.memref_slice %arg4[%dma_start3A_56, %dma_start3A_57] : memref<1000000x128xf32, #tpu.memory_space<hbm>> -> memref<1000000x128xf32, #tpu.memory_space<hbm>>
    tpu.enqueue_indirect_dma source(%dma_start3A_58 : memref<1000000x128xf32, #tpu.memory_space<hbm>>) target(%dma_start3A_52 : memref<32x128xf32, #tpu.memory_space<vmem>>) offsets(%dma_start3A_55 : memref<32xi32, #tpu.memory_space<vmem>>) semaphore(%arg15 : memref<!tpu.dma_semaphore, #tpu.memory_space<semaphore_mem>>)
    %dma_start3A_59 = arith.constant 0 : i32
    %dma_start3A_60 = arith.constant 64 : i32
    %dma_start3A_61 = arith.constant 0 : i32
    %dma_start3A_62 = tpu.memref_slice %arg8[%dma_start3A_60, %dma_start3A_61] : memref<128x128xf32, #tpu.memory_space<vmem>> -> memref<32x128xf32, #tpu.memory_space<vmem>>
    %dma_start3A_63 = arith.constant 64 : i32
    %dma_start3A_64 = tpu.memref_slice %arg7[%dma_start3A_59, %dma_start3A_63] : memref<200x128xi32, #tpu.memory_space<vmem>> -> memref<1x32xi32, #tpu.memory_space<vmem>>
    %dma_start3A_65 = tpu.memref_squeeze %dma_start3A_64 : memref<1x32xi32, #tpu.memory_space<vmem>> -> memref<32xi32, #tpu.memory_space<vmem>>
    %dma_start3A_66 = arith.constant 0 : i32
    %dma_start3A_67 = arith.constant 0 : i32
    %dma_start3A_68 = tpu.memref_slice %arg4[%dma_start3A_66, %dma_start3A_67] : memref<1000000x128xf32, #tpu.memory_space<hbm>> -> memref<1000000x128xf32, #tpu.memory_space<hbm>>
    tpu.enqueue_indirect_dma source(%dma_start3A_68 : memref<1000000x128xf32, #tpu.memory_space<hbm>>) target(%dma_start3A_62 : memref<32x128xf32, #tpu.memory_space<vmem>>) offsets(%dma_start3A_65 : memref<32xi32, #tpu.memory_space<vmem>>) semaphore(%arg15 : memref<!tpu.dma_semaphore, #tpu.memory_space<semaphore_mem>>)
    %dma_start3A_69 = arith.constant 0 : i32
    %dma_start3A_70 = arith.constant 96 : i32
    %dma_start3A_71 = arith.constant 0 : i32
    %dma_start3A_72 = tpu.memref_slice %arg8[%dma_start3A_70, %dma_start3A_71] : memref<128x128xf32, #tpu.memory_space<vmem>> -> memref<32x128xf32, #tpu.memory_space<vmem>>
    %dma_start3A_73 = arith.constant 96 : i32
    %dma_start3A_74 = tpu.memref_slice %arg7[%dma_start3A_69, %dma_start3A_73] : memref<200x128xi32, #tpu.memory_space<vmem>> -> memref<1x32xi32, #tpu.memory_space<vmem>>
    %dma_start3A_75 = tpu.memref_squeeze %dma_start3A_74 : memref<1x32xi32, #tpu.memory_space<vmem>> -> memref<32xi32, #tpu.memory_space<vmem>>
    %dma_start3A_76 = arith.constant 0 : i32
    %dma_start3A_77 = arith.constant 0 : i32
    %dma_start3A_78 = tpu.memref_slice %arg4[%dma_start3A_76, %dma_start3A_77] : memref<1000000x128xf32, #tpu.memory_space<hbm>> -> memref<1000000x128xf32, #tpu.memory_space<hbm>>
    tpu.enqueue_indirect_dma source(%dma_start3A_78 : memref<1000000x128xf32, #tpu.memory_space<hbm>>) target(%dma_start3A_72 : memref<32x128xf32, #tpu.memory_space<vmem>>) offsets(%dma_start3A_75 : memref<32xi32, #tpu.memory_space<vmem>>) semaphore(%arg15 : memref<!tpu.dma_semaphore, #tpu.memory_space<semaphore_mem>>)
    %dma_start3A_79 = arith.constant 1 : i32
    %dma_start3A_80 = arith.constant 0 : i32
    %dma_start3A_81 = arith.constant 0 : i32
    %dma_start3A_82 = tpu.memref_slice %arg9[%dma_start3A_80, %dma_start3A_81] : memref<128x128xf32, #tpu.memory_space<vmem>> -> memref<32x128xf32, #tpu.memory_space<vmem>>
    %dma_start3A_83 = arith.constant 0 : i32
    %dma_start3A_84 = tpu.memref_slice %arg7[%dma_start3A_79, %dma_start3A_83] : memref<200x128xi32, #tpu.memory_space<vmem>> -> memref<1x32xi32, #tpu.memory_space<vmem>>
    %dma_start3A_85 = tpu.memref_squeeze %dma_start3A_84 : memref<1x32xi32, #tpu.memory_space<vmem>> -> memref<32xi32, #tpu.memory_space<vmem>>
    %dma_start3A_86 = arith.constant 0 : i32
    %dma_start3A_87 = arith.constant 0 : i32
    %dma_start3A_88 = tpu.memref_slice %arg4[%dma_start3A_86, %dma_start3A_87] : memref<1000000x128xf32, #tpu.memory_space<hbm>> -> memref<1000000x128xf32, #tpu.memory_space<hbm>>
    tpu.enqueue_indirect_dma source(%dma_start3A_88 : memref<1000000x128xf32, #tpu.memory_space<hbm>>) target(%dma_start3A_82 : memref<32x128xf32, #tpu.memory_space<vmem>>) offsets(%dma_start3A_85 : memref<32xi32, #tpu.memory_space<vmem>>) semaphore(%arg16 : memref<!tpu.dma_semaphore, #tpu.memory_space<semaphore_mem>>)
    %dma_start3A_89 = arith.constant 1 : i32
    %dma_start3A_90 = arith.constant 32 : i32
    %dma_start3A_91 = arith.constant 0 : i32
    %dma_start3A_92 = tpu.memref_slice %arg9[%dma_start3A_90, %dma_start3A_91] : memref<128x128xf32, #tpu.memory_space<vmem>> -> memref<32x128xf32, #tpu.memory_space<vmem>>
    %dma_start3A_93 = arith.constant 32 : i32
    %dma_start3A_94 = tpu.memref_slice %arg7[%dma_start3A_89, %dma_start3A_93] : memref<200x128xi32, #tpu.memory_space<vmem>> -> memref<1x32xi32, #tpu.memory_space<vmem>>
    %dma_start3A_95 = tpu.memref_squeeze %dma_start3A_94 : memref<1x32xi32, #tpu.memory_space<vmem>> -> memref<32xi32, #tpu.memory_space<vmem>>
    %dma_start3A_96 = arith.constant 0 : i32
    %dma_start3A_97 = arith.constant 0 : i32
    %dma_start3A_98 = tpu.memref_slice %arg4[%dma_start3A_96, %dma_start3A_97] : memref<1000000x128xf32, #tpu.memory_space<hbm>> -> memref<1000000x128xf32, #tpu.memory_space<hbm>>
    tpu.enqueue_indirect_dma source(%dma_start3A_98 : memref<1000000x128xf32, #tpu.memory_space<hbm>>) target(%dma_start3A_92 : memref<32x128xf32, #tpu.memory_space<vmem>>) offsets(%dma_start3A_95 : memref<32xi32, #tpu.memory_space<vmem>>) semaphore(%arg16 : memref<!tpu.dma_semaphore, #tpu.memory_space<semaphore_mem>>)
    %dma_start3A_99 = arith.constant 1 : i32
    %dma_start3A_100 = arith.constant 64 : i32
    %dma_start3A_101 = arith.constant 0 : i32
    %dma_start3A_102 = tpu.memref_slice %arg9[%dma_start3A_100, %dma_start3A_101] : memref<128x128xf32, #tpu.memory_space<vmem>> -> memref<32x128xf32, #tpu.memory_space<vmem>>
    %dma_start3A_103 = arith.constant 64 : i32
    %dma_start3A_104 = tpu.memref_slice %arg7[%dma_start3A_99, %dma_start3A_103] : memref<200x128xi32, #tpu.memory_space<vmem>> -> memref<1x32xi32, #tpu.memory_space<vmem>>
    %dma_start3A_105 = tpu.memref_squeeze %dma_start3A_104 : memref<1x32xi32, #tpu.memory_space<vmem>> -> memref<32xi32, #tpu.memory_space<vmem>>
    %dma_start3A_106 = arith.constant 0 : i32
    %dma_start3A_107 = arith.constant 0 : i32
    %dma_start3A_108 = tpu.memref_slice %arg4[%dma_start3A_106, %dma_start3A_107] : memref<1000000x128xf32, #tpu.memory_space<hbm>> -> memref<1000000x128xf32, #tpu.memory_space<hbm>>
    tpu.enqueue_indirect_dma source(%dma_start3A_108 : memref<1000000x128xf32, #tpu.memory_space<hbm>>) target(%dma_start3A_102 : memref<32x128xf32, #tpu.memory_space<vmem>>) offsets(%dma_start3A_105 : memref<32xi32, #tpu.memory_space<vmem>>) semaphore(%arg16 : memref<!tpu.dma_semaphore, #tpu.memory_space<semaphore_mem>>)
    %dma_start3A_109 = arith.constant 1 : i32
    %dma_start3A_110 = arith.constant 96 : i32
    %dma_start3A_111 = arith.constant 0 : i32
    %dma_start3A_112 = tpu.memref_slice %arg9[%dma_start3A_110, %dma_start3A_111] : memref<128x128xf32, #tpu.memory_space<vmem>> -> memref<32x128xf32, #tpu.memory_space<vmem>>
    %dma_start3A_113 = arith.constant 96 : i32
    %dma_start3A_114 = tpu.memref_slice %arg7[%dma_start3A_109, %dma_start3A_113] : memref<200x128xi32, #tpu.memory_space<vmem>> -> memref<1x32xi32, #tpu.memory_space<vmem>>
    %dma_start3A_115 = tpu.memref_squeeze %dma_start3A_114 : memref<1x32xi32, #tpu.memory_space<vmem>> -> memref<32xi32, #tpu.memory_space<vmem>>
    %dma_start3A_116 = arith.constant 0 : i32
    %dma_start3A_117 = arith.constant 0 : i32
    %dma_start3A_118 = tpu.memref_slice %arg4[%dma_start3A_116, %dma_start3A_117] : memref<1000000x128xf32, #tpu.memory_space<hbm>> -> memref<1000000x128xf32, #tpu.memory_space<hbm>>
    tpu.enqueue_indirect_dma source(%dma_start3A_118 : memref<1000000x128xf32, #tpu.memory_space<hbm>>) target(%dma_start3A_112 : memref<32x128xf32, #tpu.memory_space<vmem>>) offsets(%dma_start3A_115 : memref<32xi32, #tpu.memory_space<vmem>>) semaphore(%arg16 : memref<!tpu.dma_semaphore, #tpu.memory_space<semaphore_mem>>)
    %scan3A = arith.constant 0 : i32
    %scan3A_119 = arith.constant 67 : i32
    %scan3A_120 = arith.addi %scan3A, %scan3A_119 : i32
    %scan3A_121 = arith.constant 1 : i32
    scf.for %scan3A_144 = %scan3A to %scan3A_120 step %scan3A_121  : i32 {
      %mul3A_145 = arith.constant 1 : i32
      %mul3A_146 = arith.muli %scan3A_144, %mul3A_145 : i32
      %add3A_147 = arith.constant 0 : i32
      %add3A_148 = arith.addi %add3A_147, %mul3A_146 : i32
      %mul3A_149 = arith.constant 3 : i32
      %mul3A_150 = arith.muli %add3A_148, %mul3A_149 : i32
      %add3A_151 = arith.constant 0 : i32
      %add3A_152 = arith.addi %mul3A_150, %add3A_151 : i32
      %add3A_153 = arith.constant 2 : i32
      %add3A_154 = arith.addi %add3A_152, %add3A_153 : i32
      %lt3A = arith.constant 200 : i32
      %lt3A_155 = arith.cmpi slt, %add3A_154, %lt3A : i32
      %convert_element_type3A = arith.extui %lt3A_155 : i1 to i32
      %cond3A = arith.constant 0 : i32
      %cond3A_156 = arith.cmpi ne, %convert_element_type3A, %cond3A : i32
      scf.if %cond3A_156 {
        %add3A_194 = arith.constant 2 : i32
        %add3A_195 = arith.addi %add3A_152, %add3A_194 : i32
        %dma_start3A_196 = arith.constant 0 : i32
        %dma_start3A_197 = arith.constant 0 : i32
        %dma_start3A_198 = tpu.memref_slice %arg10[%dma_start3A_196, %dma_start3A_197] : memref<128x128xf32, #tpu.memory_space<vmem>> -> memref<32x128xf32, #tpu.memory_space<vmem>>
        %dma_start3A_199 = arith.constant 0 : i32
        %dma_start3A_200 = tpu.memref_slice %arg7[%add3A_195, %dma_start3A_199] : memref<200x128xi32, #tpu.memory_space<vmem>> -> memref<1x32xi32, #tpu.memory_space<vmem>>
        %dma_start3A_201 = tpu.memref_squeeze %dma_start3A_200 : memref<1x32xi32, #tpu.memory_space<vmem>> -> memref<32xi32, #tpu.memory_space<vmem>>
        %dma_start3A_202 = arith.constant 0 : i32
        %dma_start3A_203 = arith.constant 0 : i32
        %dma_start3A_204 = tpu.memref_slice %arg4[%dma_start3A_202, %dma_start3A_203] : memref<1000000x128xf32, #tpu.memory_space<hbm>> -> memref<1000000x128xf32, #tpu.memory_space<hbm>>
        tpu.enqueue_indirect_dma source(%dma_start3A_204 : memref<1000000x128xf32, #tpu.memory_space<hbm>>) target(%dma_start3A_198 : memref<32x128xf32, #tpu.memory_space<vmem>>) offsets(%dma_start3A_201 : memref<32xi32, #tpu.memory_space<vmem>>) semaphore(%arg17 : memref<!tpu.dma_semaphore, #tpu.memory_space<semaphore_mem>>)
        %dma_start3A_205 = arith.constant 32 : i32
        %dma_start3A_206 = arith.constant 0 : i32
        %dma_start3A_207 = tpu.memref_slice %arg10[%dma_start3A_205, %dma_start3A_206] : memref<128x128xf32, #tpu.memory_space<vmem>> -> memref<32x128xf32, #tpu.memory_space<vmem>>
        %dma_start3A_208 = arith.constant 32 : i32
        %dma_start3A_209 = tpu.memref_slice %arg7[%add3A_195, %dma_start3A_208] : memref<200x128xi32, #tpu.memory_space<vmem>> -> memref<1x32xi32, #tpu.memory_space<vmem>>
        %dma_start3A_210 = tpu.memref_squeeze %dma_start3A_209 : memref<1x32xi32, #tpu.memory_space<vmem>> -> memref<32xi32, #tpu.memory_space<vmem>>
        %dma_start3A_211 = arith.constant 0 : i32
        %dma_start3A_212 = arith.constant 0 : i32
        %dma_start3A_213 = tpu.memref_slice %arg4[%dma_start3A_211, %dma_start3A_212] : memref<1000000x128xf32, #tpu.memory_space<hbm>> -> memref<1000000x128xf32, #tpu.memory_space<hbm>>
        tpu.enqueue_indirect_dma source(%dma_start3A_213 : memref<1000000x128xf32, #tpu.memory_space<hbm>>) target(%dma_start3A_207 : memref<32x128xf32, #tpu.memory_space<vmem>>) offsets(%dma_start3A_210 : memref<32xi32, #tpu.memory_space<vmem>>) semaphore(%arg17 : memref<!tpu.dma_semaphore, #tpu.memory_space<semaphore_mem>>)
        %dma_start3A_214 = arith.constant 64 : i32
        %dma_start3A_215 = arith.constant 0 : i32
        %dma_start3A_216 = tpu.memref_slice %arg10[%dma_start3A_214, %dma_start3A_215] : memref<128x128xf32, #tpu.memory_space<vmem>> -> memref<32x128xf32, #tpu.memory_space<vmem>>
        %dma_start3A_217 = arith.constant 64 : i32
        %dma_start3A_218 = tpu.memref_slice %arg7[%add3A_195, %dma_start3A_217] : memref<200x128xi32, #tpu.memory_space<vmem>> -> memref<1x32xi32, #tpu.memory_space<vmem>>
        %dma_start3A_219 = tpu.memref_squeeze %dma_start3A_218 : memref<1x32xi32, #tpu.memory_space<vmem>> -> memref<32xi32, #tpu.memory_space<vmem>>
        %dma_start3A_220 = arith.constant 0 : i32
        %dma_start3A_221 = arith.constant 0 : i32
        %dma_start3A_222 = tpu.memref_slice %arg4[%dma_start3A_220, %dma_start3A_221] : memref<1000000x128xf32, #tpu.memory_space<hbm>> -> memref<1000000x128xf32, #tpu.memory_space<hbm>>
        tpu.enqueue_indirect_dma source(%dma_start3A_222 : memref<1000000x128xf32, #tpu.memory_space<hbm>>) target(%dma_start3A_216 : memref<32x128xf32, #tpu.memory_space<vmem>>) offsets(%dma_start3A_219 : memref<32xi32, #tpu.memory_space<vmem>>) semaphore(%arg17 : memref<!tpu.dma_semaphore, #tpu.memory_space<semaphore_mem>>)
        %dma_start3A_223 = arith.constant 96 : i32
        %dma_start3A_224 = arith.constant 0 : i32
        %dma_start3A_225 = tpu.memref_slice %arg10[%dma_start3A_223, %dma_start3A_224] : memref<128x128xf32, #tpu.memory_space<vmem>> -> memref<32x128xf32, #tpu.memory_space<vmem>>
        %dma_start3A_226 = arith.constant 96 : i32
        %dma_start3A_227 = tpu.memref_slice %arg7[%add3A_195, %dma_start3A_226] : memref<200x128xi32, #tpu.memory_space<vmem>> -> memref<1x32xi32, #tpu.memory_space<vmem>>
        %dma_start3A_228 = tpu.memref_squeeze %dma_start3A_227 : memref<1x32xi32, #tpu.memory_space<vmem>> -> memref<32xi32, #tpu.memory_space<vmem>>
        %dma_start3A_229 = arith.constant 0 : i32
        %dma_start3A_230 = arith.constant 0 : i32
        %dma_start3A_231 = tpu.memref_slice %arg4[%dma_start3A_229, %dma_start3A_230] : memref<1000000x128xf32, #tpu.memory_space<hbm>> -> memref<1000000x128xf32, #tpu.memory_space<hbm>>
        tpu.enqueue_indirect_dma source(%dma_start3A_231 : memref<1000000x128xf32, #tpu.memory_space<hbm>>) target(%dma_start3A_225 : memref<32x128xf32, #tpu.memory_space<vmem>>) offsets(%dma_start3A_228 : memref<32xi32, #tpu.memory_space<vmem>>) semaphore(%arg17 : memref<!tpu.dma_semaphore, #tpu.memory_space<semaphore_mem>>)
      } else {
      }
      %lt3A_157 = arith.constant 200 : i32
      %lt3A_158 = arith.cmpi slt, %add3A_152, %lt3A_157 : i32
      %convert_element_type3A_159 = arith.extui %lt3A_158 : i1 to i32
      %cond3A_160 = arith.constant 0 : i32
      %cond3A_161 = arith.cmpi ne, %convert_element_type3A_159, %cond3A_160 : i32
      scf.if %cond3A_161 {
        %dma_wait3A_194 = arith.constant 0 : i32
        %dma_wait3A_195 = arith.constant 0 : i32
        %dma_wait3A_196 = tpu.memref_slice %arg4[%dma_wait3A_194, %dma_wait3A_195] : memref<1000000x128xf32, #tpu.memory_space<hbm>> -> memref<128x128xf32, #tpu.memory_space<hbm>>
        %dma_wait3A_197 = arith.constant 0 : i32
        %dma_wait3A_198 = arith.constant 0 : i32
        %dma_wait3A_199 = tpu.memref_slice %arg4[%dma_wait3A_197, %dma_wait3A_198] : memref<1000000x128xf32, #tpu.memory_space<hbm>> -> memref<128x128xf32, #tpu.memory_space<hbm>>
        tpu.wait_dma2 semaphore(%arg15 : memref<!tpu.dma_semaphore, #tpu.memory_space<semaphore_mem>>) src(%dma_wait3A_199 : memref<128x128xf32, #tpu.memory_space<hbm>>) dst(%arg8 : memref<128x128xf32, #tpu.memory_space<vmem>>)
        %ge3A = arith.constant 3 : i32
        %ge3A_200 = arith.cmpi sge, %add3A_152, %ge3A : i32
        %convert_element_type3A_201 = arith.extui %ge3A_200 : i1 to i32
        %cond3A_202 = arith.constant 0 : i32
        %cond3A_203 = arith.cmpi ne, %convert_element_type3A_201, %cond3A_202 : i32
        scf.if %cond3A_203 {
          %dma_wait3A_214 = arith.constant 0 : i32
          %dma_wait3A_215 = arith.constant 0 : i32
          %dma_wait3A_216 = tpu.memref_slice %arg6[%dma_wait3A_214, %dma_wait3A_215, %mul3A_2] : memref<201x64x4096xf32, #tpu.memory_space<hbm>> -> memref<1x64x128xf32, #tpu.memory_space<hbm>>
          %dma_wait3A_217 = tpu.memref_squeeze %dma_wait3A_216 : memref<1x64x128xf32, #tpu.memory_space<hbm>> -> memref<64x128xf32, #tpu.memory_space<hbm>>
          %dma_wait3A_218 = arith.constant 0 : i32
          %dma_wait3A_219 = tpu.memref_slice %arg6[%dma_wait3A_214, %dma_wait3A_218, %mul3A_2] : memref<201x64x4096xf32, #tpu.memory_space<hbm>> -> memref<1x64x128xf32, #tpu.memory_space<hbm>>
          %dma_wait3A_220 = tpu.memref_squeeze %dma_wait3A_219 : memref<1x64x128xf32, #tpu.memory_space<hbm>> -> memref<64x128xf32, #tpu.memory_space<hbm>>
          tpu.wait_dma2 semaphore(%arg18 : memref<!tpu.dma_semaphore, #tpu.memory_space<semaphore_mem>>) src(%arg11 : memref<64x128xf32, #tpu.memory_space<vmem>>) dst(%dma_wait3A_220 : memref<64x128xf32, #tpu.memory_space<hbm>>)
        } else {
        }
        %broadcast_in_dim3A = vector.broadcast %add3A_152 : i32 to vector<16xi32>
        %parallel_loop3A = arith.constant 0 : i32
        %parallel_loop3A_204 = arith.constant 64 : i32
        %parallel_loop3A_205 = arith.constant 1 : i32
        scf.for %parallel_loop3A_214 = %parallel_loop3A to %parallel_loop3A_204 step %parallel_loop3A_205  : i32 {
          %parallel_loop3A_215 = vector.broadcast %parallel_loop3A_214 : i32 to vector<16xi32>
          %parallel_loop3A_216 = arith.addi %iota3A, %parallel_loop3A_215 : vector<16xi32>
          %parallel_loop3A_217 = arith.constant 15 : i32
          %parallel_loop3A_218 = vector.broadcast %parallel_loop3A_217 : i32 to vector<16xi32>
          %parallel_loop3A_219 = arith.andi %parallel_loop3A_216, %parallel_loop3A_218 : vector<16xi32>
          %parallel_loop3A_220 = arith.constant 48 : i32
          %parallel_loop3A_221 = vector.broadcast %parallel_loop3A_220 : i32 to vector<16xi32>
          %parallel_loop3A_222 = arith.andi %parallel_loop3A_215, %parallel_loop3A_221 : vector<16xi32>
          %parallel_loop3A_223 = arith.addi %parallel_loop3A_219, %parallel_loop3A_222 : vector<16xi32>
          %parallel_loop3A_224 = tpu.vector_load_idx %arg14[%broadcast_in_dim3A, %parallel_loop3A_223] : memref<200x64xf32, #tpu.memory_space<vmem>>[vector<16xi32>, vector<16xi32>], vector<16xf32>,
          %parallel_loop3A_225 = tpu.vector_load_idx %arg8[%add3A_5, %parallel_loop3A_223] : memref<128x128xf32, #tpu.memory_space<vmem>>[vector<16xi32>, vector<16xi32>], vector<16xf32>,
          %parallel_loop3A_226 = arith.addf %parallel_loop3A_225, %parallel_loop3A_224 : vector<16xf32>
          tpu.vector_store_idx %arg11[%parallel_loop3A_223, %add3A_5], %parallel_loop3A_226 : memref<64x128xf32, #tpu.memory_space<vmem>>[vector<16xi32>, vector<16xi32>], vector<16xf32>,
          %parallel_loop3A_227 = tpu.vector_load_idx %arg8[%add3A_8, %parallel_loop3A_223] : memref<128x128xf32, #tpu.memory_space<vmem>>[vector<16xi32>, vector<16xi32>], vector<16xf32>,
          %parallel_loop3A_228 = arith.addf %parallel_loop3A_227, %parallel_loop3A_224 : vector<16xf32>
          tpu.vector_store_idx %arg11[%parallel_loop3A_223, %add3A_8], %parallel_loop3A_228 : memref<64x128xf32, #tpu.memory_space<vmem>>[vector<16xi32>, vector<16xi32>], vector<16xf32>,
          %parallel_loop3A_229 = tpu.vector_load_idx %arg8[%add3A_11, %parallel_loop3A_223] : memref<128x128xf32, #tpu.memory_space<vmem>>[vector<16xi32>, vector<16xi32>], vector<16xf32>,
          %parallel_loop3A_230 = arith.addf %parallel_loop3A_229, %parallel_loop3A_224 : vector<16xf32>
          tpu.vector_store_idx %arg11[%parallel_loop3A_223, %add3A_11], %parallel_loop3A_230 : memref<64x128xf32, #tpu.memory_space<vmem>>[vector<16xi32>, vector<16xi32>], vector<16xf32>,
          %parallel_loop3A_231 = tpu.vector_load_idx %arg8[%add3A_14, %parallel_loop3A_223] : memref<128x128xf32, #tpu.memory_space<vmem>>[vector<16xi32>, vector<16xi32>], vector<16xf32>,
          %parallel_loop3A_232 = arith.addf %parallel_loop3A_231, %parallel_loop3A_224 : vector<16xf32>
          tpu.vector_store_idx %arg11[%parallel_loop3A_223, %add3A_14], %parallel_loop3A_232 : memref<64x128xf32, #tpu.memory_space<vmem>>[vector<16xi32>, vector<16xi32>], vector<16xf32>,
          %parallel_loop3A_233 = tpu.vector_load_idx %arg8[%add3A_17, %parallel_loop3A_223] : memref<128x128xf32, #tpu.memory_space<vmem>>[vector<16xi32>, vector<16xi32>], vector<16xf32>,
          %parallel_loop3A_234 = arith.addf %parallel_loop3A_233, %parallel_loop3A_224 : vector<16xf32>
          tpu.vector_store_idx %arg11[%parallel_loop3A_223, %add3A_17], %parallel_loop3A_234 : memref<64x128xf32, #tpu.memory_space<vmem>>[vector<16xi32>, vector<16xi32>], vector<16xf32>,
          %parallel_loop3A_235 = tpu.vector_load_idx %arg8[%add3A_20, %parallel_loop3A_223] : memref<128x128xf32, #tpu.memory_space<vmem>>[vector<16xi32>, vector<16xi32>], vector<16xf32>,
          %parallel_loop3A_236 = arith.addf %parallel_loop3A_235, %parallel_loop3A_224 : vector<16xf32>
          tpu.vector_store_idx %arg11[%parallel_loop3A_223, %add3A_20], %parallel_loop3A_236 : memref<64x128xf32, #tpu.memory_space<vmem>>[vector<16xi32>, vector<16xi32>], vector<16xf32>,
          %parallel_loop3A_237 = tpu.vector_load_idx %arg8[%add3A_23, %parallel_loop3A_223] : memref<128x128xf32, #tpu.memory_space<vmem>>[vector<16xi32>, vector<16xi32>], vector<16xf32>,
          %parallel_loop3A_238 = arith.addf %parallel_loop3A_237, %parallel_loop3A_224 : vector<16xf32>
          tpu.vector_store_idx %arg11[%parallel_loop3A_223, %add3A_23], %parallel_loop3A_238 : memref<64x128xf32, #tpu.memory_space<vmem>>[vector<16xi32>, vector<16xi32>], vector<16xf32>,
          %parallel_loop3A_239 = tpu.vector_load_idx %arg8[%add3A_26, %parallel_loop3A_223] : memref<128x128xf32, #tpu.memory_space<vmem>>[vector<16xi32>, vector<16xi32>], vector<16xf32>,
          %parallel_loop3A_240 = arith.addf %parallel_loop3A_239, %parallel_loop3A_224 : vector<16xf32>
          tpu.vector_store_idx %arg11[%parallel_loop3A_223, %add3A_26], %parallel_loop3A_240 : memref<64x128xf32, #tpu.memory_space<vmem>>[vector<16xi32>, vector<16xi32>], vector<16xf32>,
        } {sc.loop_unroll_factor = 4 : i64, sc.parallel_access}
        %add3A_206 = arith.constant 1 : i32
        %add3A_207 = arith.addi %add3A_206, %add3A_152 : i32
        %dma_start3A_208 = arith.constant 0 : i32
        %dma_start3A_209 = tpu.memref_slice %arg6[%add3A_207, %dma_start3A_208, %mul3A_2] : memref<201x64x4096xf32, #tpu.memory_space<hbm>> -> memref<1x64x128xf32, #tpu.memory_space<hbm>>
        %dma_start3A_210 = tpu.memref_squeeze %dma_start3A_209 : memref<1x64x128xf32, #tpu.memory_space<hbm>> -> memref<64x128xf32, #tpu.memory_space<hbm>>
        %dma_start3A_211 = arith.constant 0 : i32
        %dma_start3A_212 = tpu.memref_slice %arg6[%add3A_207, %dma_start3A_211, %mul3A_2] : memref<201x64x4096xf32, #tpu.memory_space<hbm>> -> memref<1x64x128xf32, #tpu.memory_space<hbm>>
        %dma_start3A_213 = tpu.memref_squeeze %dma_start3A_212 : memref<1x64x128xf32, #tpu.memory_space<hbm>> -> memref<64x128xf32, #tpu.memory_space<hbm>>
        tpu.enqueue_dma source(%arg11 : memref<64x128xf32, #tpu.memory_space<vmem>>) target(%dma_start3A_213 : memref<64x128xf32, #tpu.memory_space<hbm>>) target_semaphore(%arg18 : memref<!tpu.dma_semaphore, #tpu.memory_space<semaphore_mem>>)
      } else {
      }
      %mul3A_162 = arith.constant 3 : i32
      %mul3A_163 = arith.muli %add3A_148, %mul3A_162 : i32
      %add3A_164 = arith.constant 1 : i32
      %add3A_165 = arith.addi %mul3A_163, %add3A_164 : i32
      %add3A_166 = arith.constant 2 : i32
      %add3A_167 = arith.addi %add3A_165, %add3A_166 : i32
      %lt3A_168 = arith.constant 200 : i32
      %lt3A_169 = arith.cmpi slt, %add3A_167, %lt3A_168 : i32
      %convert_element_type3A_170 = arith.extui %lt3A_169 : i1 to i32
      %cond3A_171 = arith.constant 0 : i32
      %cond3A_172 = arith.cmpi ne, %convert_element_type3A_170, %cond3A_171 : i32
      scf.if %cond3A_172 {
        %add3A_194 = arith.constant 2 : i32
        %add3A_195 = arith.addi %add3A_165, %add3A_194 : i32
        %dma_start3A_196 = arith.constant 0 : i32
        %dma_start3A_197 = arith.constant 0 : i32
        %dma_start3A_198 = tpu.memref_slice %arg8[%dma_start3A_196, %dma_start3A_197] : memref<128x128xf32, #tpu.memory_space<vmem>> -> memref<32x128xf32, #tpu.memory_space<vmem>>
        %dma_start3A_199 = arith.constant 0 : i32
        %dma_start3A_200 = tpu.memref_slice %arg7[%add3A_195, %dma_start3A_199] : memref<200x128xi32, #tpu.memory_space<vmem>> -> memref<1x32xi32, #tpu.memory_space<vmem>>
        %dma_start3A_201 = tpu.memref_squeeze %dma_start3A_200 : memref<1x32xi32, #tpu.memory_space<vmem>> -> memref<32xi32, #tpu.memory_space<vmem>>
        %dma_start3A_202 = arith.constant 0 : i32
        %dma_start3A_203 = arith.constant 0 : i32
        %dma_start3A_204 = tpu.memref_slice %arg4[%dma_start3A_202, %dma_start3A_203] : memref<1000000x128xf32, #tpu.memory_space<hbm>> -> memref<1000000x128xf32, #tpu.memory_space<hbm>>
        tpu.enqueue_indirect_dma source(%dma_start3A_204 : memref<1000000x128xf32, #tpu.memory_space<hbm>>) target(%dma_start3A_198 : memref<32x128xf32, #tpu.memory_space<vmem>>) offsets(%dma_start3A_201 : memref<32xi32, #tpu.memory_space<vmem>>) semaphore(%arg15 : memref<!tpu.dma_semaphore, #tpu.memory_space<semaphore_mem>>)
        %dma_start3A_205 = arith.constant 32 : i32
        %dma_start3A_206 = arith.constant 0 : i32
        %dma_start3A_207 = tpu.memref_slice %arg8[%dma_start3A_205, %dma_start3A_206] : memref<128x128xf32, #tpu.memory_space<vmem>> -> memref<32x128xf32, #tpu.memory_space<vmem>>
        %dma_start3A_208 = arith.constant 32 : i32
        %dma_start3A_209 = tpu.memref_slice %arg7[%add3A_195, %dma_start3A_208] : memref<200x128xi32, #tpu.memory_space<vmem>> -> memref<1x32xi32, #tpu.memory_space<vmem>>
        %dma_start3A_210 = tpu.memref_squeeze %dma_start3A_209 : memref<1x32xi32, #tpu.memory_space<vmem>> -> memref<32xi32, #tpu.memory_space<vmem>>
        %dma_start3A_211 = arith.constant 0 : i32
        %dma_start3A_212 = arith.constant 0 : i32
        %dma_start3A_213 = tpu.memref_slice %arg4[%dma_start3A_211, %dma_start3A_212] : memref<1000000x128xf32, #tpu.memory_space<hbm>> -> memref<1000000x128xf32, #tpu.memory_space<hbm>>
        tpu.enqueue_indirect_dma source(%dma_start3A_213 : memref<1000000x128xf32, #tpu.memory_space<hbm>>) target(%dma_start3A_207 : memref<32x128xf32, #tpu.memory_space<vmem>>) offsets(%dma_start3A_210 : memref<32xi32, #tpu.memory_space<vmem>>) semaphore(%arg15 : memref<!tpu.dma_semaphore, #tpu.memory_space<semaphore_mem>>)
        %dma_start3A_214 = arith.constant 64 : i32
        %dma_start3A_215 = arith.constant 0 : i32
        %dma_start3A_216 = tpu.memref_slice %arg8[%dma_start3A_214, %dma_start3A_215] : memref<128x128xf32, #tpu.memory_space<vmem>> -> memref<32x128xf32, #tpu.memory_space<vmem>>
        %dma_start3A_217 = arith.constant 64 : i32
        %dma_start3A_218 = tpu.memref_slice %arg7[%add3A_195, %dma_start3A_217] : memref<200x128xi32, #tpu.memory_space<vmem>> -> memref<1x32xi32, #tpu.memory_space<vmem>>
        %dma_start3A_219 = tpu.memref_squeeze %dma_start3A_218 : memref<1x32xi32, #tpu.memory_space<vmem>> -> memref<32xi32, #tpu.memory_space<vmem>>
        %dma_start3A_220 = arith.constant 0 : i32
        %dma_start3A_221 = arith.constant 0 : i32
        %dma_start3A_222 = tpu.memref_slice %arg4[%dma_start3A_220, %dma_start3A_221] : memref<1000000x128xf32, #tpu.memory_space<hbm>> -> memref<1000000x128xf32, #tpu.memory_space<hbm>>
        tpu.enqueue_indirect_dma source(%dma_start3A_222 : memref<1000000x128xf32, #tpu.memory_space<hbm>>) target(%dma_start3A_216 : memref<32x128xf32, #tpu.memory_space<vmem>>) offsets(%dma_start3A_219 : memref<32xi32, #tpu.memory_space<vmem>>) semaphore(%arg15 : memref<!tpu.dma_semaphore, #tpu.memory_space<semaphore_mem>>)
        %dma_start3A_223 = arith.constant 96 : i32
        %dma_start3A_224 = arith.constant 0 : i32
        %dma_start3A_225 = tpu.memref_slice %arg8[%dma_start3A_223, %dma_start3A_224] : memref<128x128xf32, #tpu.memory_space<vmem>> -> memref<32x128xf32, #tpu.memory_space<vmem>>
        %dma_start3A_226 = arith.constant 96 : i32
        %dma_start3A_227 = tpu.memref_slice %arg7[%add3A_195, %dma_start3A_226] : memref<200x128xi32, #tpu.memory_space<vmem>> -> memref<1x32xi32, #tpu.memory_space<vmem>>
        %dma_start3A_228 = tpu.memref_squeeze %dma_start3A_227 : memref<1x32xi32, #tpu.memory_space<vmem>> -> memref<32xi32, #tpu.memory_space<vmem>>
        %dma_start3A_229 = arith.constant 0 : i32
        %dma_start3A_230 = arith.constant 0 : i32
        %dma_start3A_231 = tpu.memref_slice %arg4[%dma_start3A_229, %dma_start3A_230] : memref<1000000x128xf32, #tpu.memory_space<hbm>> -> memref<1000000x128xf32, #tpu.memory_space<hbm>>
        tpu.enqueue_indirect_dma source(%dma_start3A_231 : memref<1000000x128xf32, #tpu.memory_space<hbm>>) target(%dma_start3A_225 : memref<32x128xf32, #tpu.memory_space<vmem>>) offsets(%dma_start3A_228 : memref<32xi32, #tpu.memory_space<vmem>>) semaphore(%arg15 : memref<!tpu.dma_semaphore, #tpu.memory_space<semaphore_mem>>)
      } else {
      }
      %lt3A_173 = arith.constant 200 : i32
      %lt3A_174 = arith.cmpi slt, %add3A_165, %lt3A_173 : i32
      %convert_element_type3A_175 = arith.extui %lt3A_174 : i1 to i32
      %cond3A_176 = arith.constant 0 : i32
      %cond3A_177 = arith.cmpi ne, %convert_element_type3A_175, %cond3A_176 : i32
      scf.if %cond3A_177 {
        %dma_wait3A_194 = arith.constant 0 : i32
        %dma_wait3A_195 = arith.constant 0 : i32
        %dma_wait3A_196 = tpu.memref_slice %arg4[%dma_wait3A_194, %dma_wait3A_195] : memref<1000000x128xf32, #tpu.memory_space<hbm>> -> memref<128x128xf32, #tpu.memory_space<hbm>>
        %dma_wait3A_197 = arith.constant 0 : i32
        %dma_wait3A_198 = arith.constant 0 : i32
        %dma_wait3A_199 = tpu.memref_slice %arg4[%dma_wait3A_197, %dma_wait3A_198] : memref<1000000x128xf32, #tpu.memory_space<hbm>> -> memref<128x128xf32, #tpu.memory_space<hbm>>
        tpu.wait_dma2 semaphore(%arg16 : memref<!tpu.dma_semaphore, #tpu.memory_space<semaphore_mem>>) src(%dma_wait3A_199 : memref<128x128xf32, #tpu.memory_space<hbm>>) dst(%arg9 : memref<128x128xf32, #tpu.memory_space<vmem>>)
        %ge3A = arith.constant 3 : i32
        %ge3A_200 = arith.cmpi sge, %add3A_165, %ge3A : i32
        %convert_element_type3A_201 = arith.extui %ge3A_200 : i1 to i32
        %cond3A_202 = arith.constant 0 : i32
        %cond3A_203 = arith.cmpi ne, %convert_element_type3A_201, %cond3A_202 : i32
        scf.if %cond3A_203 {
          %dma_wait3A_214 = arith.constant 0 : i32
          %dma_wait3A_215 = arith.constant 0 : i32
          %dma_wait3A_216 = tpu.memref_slice %arg6[%dma_wait3A_214, %dma_wait3A_215, %mul3A_2] : memref<201x64x4096xf32, #tpu.memory_space<hbm>> -> memref<1x64x128xf32, #tpu.memory_space<hbm>>
          %dma_wait3A_217 = tpu.memref_squeeze %dma_wait3A_216 : memref<1x64x128xf32, #tpu.memory_space<hbm>> -> memref<64x128xf32, #tpu.memory_space<hbm>>
          %dma_wait3A_218 = arith.constant 0 : i32
          %dma_wait3A_219 = tpu.memref_slice %arg6[%dma_wait3A_214, %dma_wait3A_218, %mul3A_2] : memref<201x64x4096xf32, #tpu.memory_space<hbm>> -> memref<1x64x128xf32, #tpu.memory_space<hbm>>
          %dma_wait3A_220 = tpu.memref_squeeze %dma_wait3A_219 : memref<1x64x128xf32, #tpu.memory_space<hbm>> -> memref<64x128xf32, #tpu.memory_space<hbm>>
          tpu.wait_dma2 semaphore(%arg19 : memref<!tpu.dma_semaphore, #tpu.memory_space<semaphore_mem>>) src(%arg12 : memref<64x128xf32, #tpu.memory_space<vmem>>) dst(%dma_wait3A_220 : memref<64x128xf32, #tpu.memory_space<hbm>>)
        } else {
        }
        %broadcast_in_dim3A = vector.broadcast %add3A_165 : i32 to vector<16xi32>
        %parallel_loop3A = arith.constant 0 : i32
        %parallel_loop3A_204 = arith.constant 64 : i32
        %parallel_loop3A_205 = arith.constant 1 : i32
        scf.for %parallel_loop3A_214 = %parallel_loop3A to %parallel_loop3A_204 step %parallel_loop3A_205  : i32 {
          %parallel_loop3A_215 = vector.broadcast %parallel_loop3A_214 : i32 to vector<16xi32>
          %parallel_loop3A_216 = arith.addi %iota3A, %parallel_loop3A_215 : vector<16xi32>
          %parallel_loop3A_217 = arith.constant 15 : i32
          %parallel_loop3A_218 = vector.broadcast %parallel_loop3A_217 : i32 to vector<16xi32>
          %parallel_loop3A_219 = arith.andi %parallel_loop3A_216, %parallel_loop3A_218 : vector<16xi32>
          %parallel_loop3A_220 = arith.constant 48 : i32
          %parallel_loop3A_221 = vector.broadcast %parallel_loop3A_220 : i32 to vector<16xi32>
          %parallel_loop3A_222 = arith.andi %parallel_loop3A_215, %parallel_loop3A_221 : vector<16xi32>
          %parallel_loop3A_223 = arith.addi %parallel_loop3A_219, %parallel_loop3A_222 : vector<16xi32>
          %parallel_loop3A_224 = tpu.vector_load_idx %arg14[%broadcast_in_dim3A, %parallel_loop3A_223] : memref<200x64xf32, #tpu.memory_space<vmem>>[vector<16xi32>, vector<16xi32>], vector<16xf32>,
          %parallel_loop3A_225 = tpu.vector_load_idx %arg9[%add3A_5, %parallel_loop3A_223] : memref<128x128xf32, #tpu.memory_space<vmem>>[vector<16xi32>, vector<16xi32>], vector<16xf32>,
          %parallel_loop3A_226 = arith.addf %parallel_loop3A_225, %parallel_loop3A_224 : vector<16xf32>
          tpu.vector_store_idx %arg12[%parallel_loop3A_223, %add3A_5], %parallel_loop3A_226 : memref<64x128xf32, #tpu.memory_space<vmem>>[vector<16xi32>, vector<16xi32>], vector<16xf32>,
          %parallel_loop3A_227 = tpu.vector_load_idx %arg9[%add3A_8, %parallel_loop3A_223] : memref<128x128xf32, #tpu.memory_space<vmem>>[vector<16xi32>, vector<16xi32>], vector<16xf32>,
          %parallel_loop3A_228 = arith.addf %parallel_loop3A_227, %parallel_loop3A_224 : vector<16xf32>
          tpu.vector_store_idx %arg12[%parallel_loop3A_223, %add3A_8], %parallel_loop3A_228 : memref<64x128xf32, #tpu.memory_space<vmem>>[vector<16xi32>, vector<16xi32>], vector<16xf32>,
          %parallel_loop3A_229 = tpu.vector_load_idx %arg9[%add3A_11, %parallel_loop3A_223] : memref<128x128xf32, #tpu.memory_space<vmem>>[vector<16xi32>, vector<16xi32>], vector<16xf32>,
          %parallel_loop3A_230 = arith.addf %parallel_loop3A_229, %parallel_loop3A_224 : vector<16xf32>
          tpu.vector_store_idx %arg12[%parallel_loop3A_223, %add3A_11], %parallel_loop3A_230 : memref<64x128xf32, #tpu.memory_space<vmem>>[vector<16xi32>, vector<16xi32>], vector<16xf32>,
          %parallel_loop3A_231 = tpu.vector_load_idx %arg9[%add3A_14, %parallel_loop3A_223] : memref<128x128xf32, #tpu.memory_space<vmem>>[vector<16xi32>, vector<16xi32>], vector<16xf32>,
          %parallel_loop3A_232 = arith.addf %parallel_loop3A_231, %parallel_loop3A_224 : vector<16xf32>
          tpu.vector_store_idx %arg12[%parallel_loop3A_223, %add3A_14], %parallel_loop3A_232 : memref<64x128xf32, #tpu.memory_space<vmem>>[vector<16xi32>, vector<16xi32>], vector<16xf32>,
          %parallel_loop3A_233 = tpu.vector_load_idx %arg9[%add3A_17, %parallel_loop3A_223] : memref<128x128xf32, #tpu.memory_space<vmem>>[vector<16xi32>, vector<16xi32>], vector<16xf32>,
          %parallel_loop3A_234 = arith.addf %parallel_loop3A_233, %parallel_loop3A_224 : vector<16xf32>
          tpu.vector_store_idx %arg12[%parallel_loop3A_223, %add3A_17], %parallel_loop3A_234 : memref<64x128xf32, #tpu.memory_space<vmem>>[vector<16xi32>, vector<16xi32>], vector<16xf32>,
          %parallel_loop3A_235 = tpu.vector_load_idx %arg9[%add3A_20, %parallel_loop3A_223] : memref<128x128xf32, #tpu.memory_space<vmem>>[vector<16xi32>, vector<16xi32>], vector<16xf32>,
          %parallel_loop3A_236 = arith.addf %parallel_loop3A_235, %parallel_loop3A_224 : vector<16xf32>
          tpu.vector_store_idx %arg12[%parallel_loop3A_223, %add3A_20], %parallel_loop3A_236 : memref<64x128xf32, #tpu.memory_space<vmem>>[vector<16xi32>, vector<16xi32>], vector<16xf32>,
          %parallel_loop3A_237 = tpu.vector_load_idx %arg9[%add3A_23, %parallel_loop3A_223] : memref<128x128xf32, #tpu.memory_space<vmem>>[vector<16xi32>, vector<16xi32>], vector<16xf32>,
          %parallel_loop3A_238 = arith.addf %parallel_loop3A_237, %parallel_loop3A_224 : vector<16xf32>
          tpu.vector_store_idx %arg12[%parallel_loop3A_223, %add3A_23], %parallel_loop3A_238 : memref<64x128xf32, #tpu.memory_space<vmem>>[vector<16xi32>, vector<16xi32>], vector<16xf32>,
          %parallel_loop3A_239 = tpu.vector_load_idx %arg9[%add3A_26, %parallel_loop3A_223] : memref<128x128xf32, #tpu.memory_space<vmem>>[vector<16xi32>, vector<16xi32>], vector<16xf32>,
          %parallel_loop3A_240 = arith.addf %parallel_loop3A_239, %parallel_loop3A_224 : vector<16xf32>
          tpu.vector_store_idx %arg12[%parallel_loop3A_223, %add3A_26], %parallel_loop3A_240 : memref<64x128xf32, #tpu.memory_space<vmem>>[vector<16xi32>, vector<16xi32>], vector<16xf32>,
        } {sc.loop_unroll_factor = 4 : i64, sc.parallel_access}
        %add3A_206 = arith.constant 1 : i32
        %add3A_207 = arith.addi %add3A_206, %add3A_165 : i32
        %dma_start3A_208 = arith.constant 0 : i32
        %dma_start3A_209 = tpu.memref_slice %arg6[%add3A_207, %dma_start3A_208, %mul3A_2] : memref<201x64x4096xf32, #tpu.memory_space<hbm>> -> memref<1x64x128xf32, #tpu.memory_space<hbm>>
        %dma_start3A_210 = tpu.memref_squeeze %dma_start3A_209 : memref<1x64x128xf32, #tpu.memory_space<hbm>> -> memref<64x128xf32, #tpu.memory_space<hbm>>
        %dma_start3A_211 = arith.constant 0 : i32
        %dma_start3A_212 = tpu.memref_slice %arg6[%add3A_207, %dma_start3A_211, %mul3A_2] : memref<201x64x4096xf32, #tpu.memory_space<hbm>> -> memref<1x64x128xf32, #tpu.memory_space<hbm>>
        %dma_start3A_213 = tpu.memref_squeeze %dma_start3A_212 : memref<1x64x128xf32, #tpu.memory_space<hbm>> -> memref<64x128xf32, #tpu.memory_space<hbm>>
        tpu.enqueue_dma source(%arg12 : memref<64x128xf32, #tpu.memory_space<vmem>>) target(%dma_start3A_213 : memref<64x128xf32, #tpu.memory_space<hbm>>) target_semaphore(%arg19 : memref<!tpu.dma_semaphore, #tpu.memory_space<semaphore_mem>>)
      } else {
      }
      %mul3A_178 = arith.constant 3 : i32
      %mul3A_179 = arith.muli %add3A_148, %mul3A_178 : i32
      %add3A_180 = arith.constant 2 : i32
      %add3A_181 = arith.addi %mul3A_179, %add3A_180 : i32
      %add3A_182 = arith.constant 2 : i32
      %add3A_183 = arith.addi %add3A_181, %add3A_182 : i32
      %lt3A_184 = arith.constant 200 : i32
      %lt3A_185 = arith.cmpi slt, %add3A_183, %lt3A_184 : i32
      %convert_element_type3A_186 = arith.extui %lt3A_185 : i1 to i32
      %cond3A_187 = arith.constant 0 : i32
      %cond3A_188 = arith.cmpi ne, %convert_element_type3A_186, %cond3A_187 : i32
      scf.if %cond3A_188 {
        %add3A_194 = arith.constant 2 : i32
        %add3A_195 = arith.addi %add3A_181, %add3A_194 : i32
        %dma_start3A_196 = arith.constant 0 : i32
        %dma_start3A_197 = arith.constant 0 : i32
        %dma_start3A_198 = tpu.memref_slice %arg9[%dma_start3A_196, %dma_start3A_197] : memref<128x128xf32, #tpu.memory_space<vmem>> -> memref<32x128xf32, #tpu.memory_space<vmem>>
        %dma_start3A_199 = arith.constant 0 : i32
        %dma_start3A_200 = tpu.memref_slice %arg7[%add3A_195, %dma_start3A_199] : memref<200x128xi32, #tpu.memory_space<vmem>> -> memref<1x32xi32, #tpu.memory_space<vmem>>
        %dma_start3A_201 = tpu.memref_squeeze %dma_start3A_200 : memref<1x32xi32, #tpu.memory_space<vmem>> -> memref<32xi32, #tpu.memory_space<vmem>>
        %dma_start3A_202 = arith.constant 0 : i32
        %dma_start3A_203 = arith.constant 0 : i32
        %dma_start3A_204 = tpu.memref_slice %arg4[%dma_start3A_202, %dma_start3A_203] : memref<1000000x128xf32, #tpu.memory_space<hbm>> -> memref<1000000x128xf32, #tpu.memory_space<hbm>>
        tpu.enqueue_indirect_dma source(%dma_start3A_204 : memref<1000000x128xf32, #tpu.memory_space<hbm>>) target(%dma_start3A_198 : memref<32x128xf32, #tpu.memory_space<vmem>>) offsets(%dma_start3A_201 : memref<32xi32, #tpu.memory_space<vmem>>) semaphore(%arg16 : memref<!tpu.dma_semaphore, #tpu.memory_space<semaphore_mem>>)
        %dma_start3A_205 = arith.constant 32 : i32
        %dma_start3A_206 = arith.constant 0 : i32
        %dma_start3A_207 = tpu.memref_slice %arg9[%dma_start3A_205, %dma_start3A_206] : memref<128x128xf32, #tpu.memory_space<vmem>> -> memref<32x128xf32, #tpu.memory_space<vmem>>
        %dma_start3A_208 = arith.constant 32 : i32
        %dma_start3A_209 = tpu.memref_slice %arg7[%add3A_195, %dma_start3A_208] : memref<200x128xi32, #tpu.memory_space<vmem>> -> memref<1x32xi32, #tpu.memory_space<vmem>>
        %dma_start3A_210 = tpu.memref_squeeze %dma_start3A_209 : memref<1x32xi32, #tpu.memory_space<vmem>> -> memref<32xi32, #tpu.memory_space<vmem>>
        %dma_start3A_211 = arith.constant 0 : i32
        %dma_start3A_212 = arith.constant 0 : i32
        %dma_start3A_213 = tpu.memref_slice %arg4[%dma_start3A_211, %dma_start3A_212] : memref<1000000x128xf32, #tpu.memory_space<hbm>> -> memref<1000000x128xf32, #tpu.memory_space<hbm>>
        tpu.enqueue_indirect_dma source(%dma_start3A_213 : memref<1000000x128xf32, #tpu.memory_space<hbm>>) target(%dma_start3A_207 : memref<32x128xf32, #tpu.memory_space<vmem>>) offsets(%dma_start3A_210 : memref<32xi32, #tpu.memory_space<vmem>>) semaphore(%arg16 : memref<!tpu.dma_semaphore, #tpu.memory_space<semaphore_mem>>)
        %dma_start3A_214 = arith.constant 64 : i32
        %dma_start3A_215 = arith.constant 0 : i32
        %dma_start3A_216 = tpu.memref_slice %arg9[%dma_start3A_214, %dma_start3A_215] : memref<128x128xf32, #tpu.memory_space<vmem>> -> memref<32x128xf32, #tpu.memory_space<vmem>>
        %dma_start3A_217 = arith.constant 64 : i32
        %dma_start3A_218 = tpu.memref_slice %arg7[%add3A_195, %dma_start3A_217] : memref<200x128xi32, #tpu.memory_space<vmem>> -> memref<1x32xi32, #tpu.memory_space<vmem>>
        %dma_start3A_219 = tpu.memref_squeeze %dma_start3A_218 : memref<1x32xi32, #tpu.memory_space<vmem>> -> memref<32xi32, #tpu.memory_space<vmem>>
        %dma_start3A_220 = arith.constant 0 : i32
        %dma_start3A_221 = arith.constant 0 : i32
        %dma_start3A_222 = tpu.memref_slice %arg4[%dma_start3A_220, %dma_start3A_221] : memref<1000000x128xf32, #tpu.memory_space<hbm>> -> memref<1000000x128xf32, #tpu.memory_space<hbm>>
        tpu.enqueue_indirect_dma source(%dma_start3A_222 : memref<1000000x128xf32, #tpu.memory_space<hbm>>) target(%dma_start3A_216 : memref<32x128xf32, #tpu.memory_space<vmem>>) offsets(%dma_start3A_219 : memref<32xi32, #tpu.memory_space<vmem>>) semaphore(%arg16 : memref<!tpu.dma_semaphore, #tpu.memory_space<semaphore_mem>>)
        %dma_start3A_223 = arith.constant 96 : i32
        %dma_start3A_224 = arith.constant 0 : i32
        %dma_start3A_225 = tpu.memref_slice %arg9[%dma_start3A_223, %dma_start3A_224] : memref<128x128xf32, #tpu.memory_space<vmem>> -> memref<32x128xf32, #tpu.memory_space<vmem>>
        %dma_start3A_226 = arith.constant 96 : i32
        %dma_start3A_227 = tpu.memref_slice %arg7[%add3A_195, %dma_start3A_226] : memref<200x128xi32, #tpu.memory_space<vmem>> -> memref<1x32xi32, #tpu.memory_space<vmem>>
        %dma_start3A_228 = tpu.memref_squeeze %dma_start3A_227 : memref<1x32xi32, #tpu.memory_space<vmem>> -> memref<32xi32, #tpu.memory_space<vmem>>
        %dma_start3A_229 = arith.constant 0 : i32
        %dma_start3A_230 = arith.constant 0 : i32
        %dma_start3A_231 = tpu.memref_slice %arg4[%dma_start3A_229, %dma_start3A_230] : memref<1000000x128xf32, #tpu.memory_space<hbm>> -> memref<1000000x128xf32, #tpu.memory_space<hbm>>
        tpu.enqueue_indirect_dma source(%dma_start3A_231 : memref<1000000x128xf32, #tpu.memory_space<hbm>>) target(%dma_start3A_225 : memref<32x128xf32, #tpu.memory_space<vmem>>) offsets(%dma_start3A_228 : memref<32xi32, #tpu.memory_space<vmem>>) semaphore(%arg16 : memref<!tpu.dma_semaphore, #tpu.memory_space<semaphore_mem>>)
      } else {
      }
      %lt3A_189 = arith.constant 200 : i32
      %lt3A_190 = arith.cmpi slt, %add3A_181, %lt3A_189 : i32
      %convert_element_type3A_191 = arith.extui %lt3A_190 : i1 to i32
      %cond3A_192 = arith.constant 0 : i32
      %cond3A_193 = arith.cmpi ne, %convert_element_type3A_191, %cond3A_192 : i32
      scf.if %cond3A_193 {
        %dma_wait3A_194 = arith.constant 0 : i32
        %dma_wait3A_195 = arith.constant 0 : i32
        %dma_wait3A_196 = tpu.memref_slice %arg4[%dma_wait3A_194, %dma_wait3A_195] : memref<1000000x128xf32, #tpu.memory_space<hbm>> -> memref<128x128xf32, #tpu.memory_space<hbm>>
        %dma_wait3A_197 = arith.constant 0 : i32
        %dma_wait3A_198 = arith.constant 0 : i32
        %dma_wait3A_199 = tpu.memref_slice %arg4[%dma_wait3A_197, %dma_wait3A_198] : memref<1000000x128xf32, #tpu.memory_space<hbm>> -> memref<128x128xf32, #tpu.memory_space<hbm>>
        tpu.wait_dma2 semaphore(%arg17 : memref<!tpu.dma_semaphore, #tpu.memory_space<semaphore_mem>>) src(%dma_wait3A_199 : memref<128x128xf32, #tpu.memory_space<hbm>>) dst(%arg10 : memref<128x128xf32, #tpu.memory_space<vmem>>)
        %ge3A = arith.constant 3 : i32
        %ge3A_200 = arith.cmpi sge, %add3A_181, %ge3A : i32
        %convert_element_type3A_201 = arith.extui %ge3A_200 : i1 to i32
        %cond3A_202 = arith.constant 0 : i32
        %cond3A_203 = arith.cmpi ne, %convert_element_type3A_201, %cond3A_202 : i32
        scf.if %cond3A_203 {
          %dma_wait3A_214 = arith.constant 0 : i32
          %dma_wait3A_215 = arith.constant 0 : i32
          %dma_wait3A_216 = tpu.memref_slice %arg6[%dma_wait3A_214, %dma_wait3A_215, %mul3A_2] : memref<201x64x4096xf32, #tpu.memory_space<hbm>> -> memref<1x64x128xf32, #tpu.memory_space<hbm>>
          %dma_wait3A_217 = tpu.memref_squeeze %dma_wait3A_216 : memref<1x64x128xf32, #tpu.memory_space<hbm>> -> memref<64x128xf32, #tpu.memory_space<hbm>>
          %dma_wait3A_218 = arith.constant 0 : i32
          %dma_wait3A_219 = tpu.memref_slice %arg6[%dma_wait3A_214, %dma_wait3A_218, %mul3A_2] : memref<201x64x4096xf32, #tpu.memory_space<hbm>> -> memref<1x64x128xf32, #tpu.memory_space<hbm>>
          %dma_wait3A_220 = tpu.memref_squeeze %dma_wait3A_219 : memref<1x64x128xf32, #tpu.memory_space<hbm>> -> memref<64x128xf32, #tpu.memory_space<hbm>>
          tpu.wait_dma2 semaphore(%arg20 : memref<!tpu.dma_semaphore, #tpu.memory_space<semaphore_mem>>) src(%arg13 : memref<64x128xf32, #tpu.memory_space<vmem>>) dst(%dma_wait3A_220 : memref<64x128xf32, #tpu.memory_space<hbm>>)
        } else {
        }
        %broadcast_in_dim3A = vector.broadcast %add3A_181 : i32 to vector<16xi32>
        %parallel_loop3A = arith.constant 0 : i32
        %parallel_loop3A_204 = arith.constant 64 : i32
        %parallel_loop3A_205 = arith.constant 1 : i32
        scf.for %parallel_loop3A_214 = %parallel_loop3A to %parallel_loop3A_204 step %parallel_loop3A_205  : i32 {
          %parallel_loop3A_215 = vector.broadcast %parallel_loop3A_214 : i32 to vector<16xi32>
          %parallel_loop3A_216 = arith.addi %iota3A, %parallel_loop3A_215 : vector<16xi32>
          %parallel_loop3A_217 = arith.constant 15 : i32
          %parallel_loop3A_218 = vector.broadcast %parallel_loop3A_217 : i32 to vector<16xi32>
          %parallel_loop3A_219 = arith.andi %parallel_loop3A_216, %parallel_loop3A_218 : vector<16xi32>
          %parallel_loop3A_220 = arith.constant 48 : i32
          %parallel_loop3A_221 = vector.broadcast %parallel_loop3A_220 : i32 to vector<16xi32>
          %parallel_loop3A_222 = arith.andi %parallel_loop3A_215, %parallel_loop3A_221 : vector<16xi32>
          %parallel_loop3A_223 = arith.addi %parallel_loop3A_219, %parallel_loop3A_222 : vector<16xi32>
          %parallel_loop3A_224 = tpu.vector_load_idx %arg14[%broadcast_in_dim3A, %parallel_loop3A_223] : memref<200x64xf32, #tpu.memory_space<vmem>>[vector<16xi32>, vector<16xi32>], vector<16xf32>,
          %parallel_loop3A_225 = tpu.vector_load_idx %arg10[%add3A_5, %parallel_loop3A_223] : memref<128x128xf32, #tpu.memory_space<vmem>>[vector<16xi32>, vector<16xi32>], vector<16xf32>,
          %parallel_loop3A_226 = arith.addf %parallel_loop3A_225, %parallel_loop3A_224 : vector<16xf32>
          tpu.vector_store_idx %arg13[%parallel_loop3A_223, %add3A_5], %parallel_loop3A_226 : memref<64x128xf32, #tpu.memory_space<vmem>>[vector<16xi32>, vector<16xi32>], vector<16xf32>,
          %parallel_loop3A_227 = tpu.vector_load_idx %arg10[%add3A_8, %parallel_loop3A_223] : memref<128x128xf32, #tpu.memory_space<vmem>>[vector<16xi32>, vector<16xi32>], vector<16xf32>,
          %parallel_loop3A_228 = arith.addf %parallel_loop3A_227, %parallel_loop3A_224 : vector<16xf32>
          tpu.vector_store_idx %arg13[%parallel_loop3A_223, %add3A_8], %parallel_loop3A_228 : memref<64x128xf32, #tpu.memory_space<vmem>>[vector<16xi32>, vector<16xi32>], vector<16xf32>,
          %parallel_loop3A_229 = tpu.vector_load_idx %arg10[%add3A_11, %parallel_loop3A_223] : memref<128x128xf32, #tpu.memory_space<vmem>>[vector<16xi32>, vector<16xi32>], vector<16xf32>,
          %parallel_loop3A_230 = arith.addf %parallel_loop3A_229, %parallel_loop3A_224 : vector<16xf32>
          tpu.vector_store_idx %arg13[%parallel_loop3A_223, %add3A_11], %parallel_loop3A_230 : memref<64x128xf32, #tpu.memory_space<vmem>>[vector<16xi32>, vector<16xi32>], vector<16xf32>,
          %parallel_loop3A_231 = tpu.vector_load_idx %arg10[%add3A_14, %parallel_loop3A_223] : memref<128x128xf32, #tpu.memory_space<vmem>>[vector<16xi32>, vector<16xi32>], vector<16xf32>,
          %parallel_loop3A_232 = arith.addf %parallel_loop3A_231, %parallel_loop3A_224 : vector<16xf32>
          tpu.vector_store_idx %arg13[%parallel_loop3A_223, %add3A_14], %parallel_loop3A_232 : memref<64x128xf32, #tpu.memory_space<vmem>>[vector<16xi32>, vector<16xi32>], vector<16xf32>,
          %parallel_loop3A_233 = tpu.vector_load_idx %arg10[%add3A_17, %parallel_loop3A_223] : memref<128x128xf32, #tpu.memory_space<vmem>>[vector<16xi32>, vector<16xi32>], vector<16xf32>,
          %parallel_loop3A_234 = arith.addf %parallel_loop3A_233, %parallel_loop3A_224 : vector<16xf32>
          tpu.vector_store_idx %arg13[%parallel_loop3A_223, %add3A_17], %parallel_loop3A_234 : memref<64x128xf32, #tpu.memory_space<vmem>>[vector<16xi32>, vector<16xi32>], vector<16xf32>,
          %parallel_loop3A_235 = tpu.vector_load_idx %arg10[%add3A_20, %parallel_loop3A_223] : memref<128x128xf32, #tpu.memory_space<vmem>>[vector<16xi32>, vector<16xi32>], vector<16xf32>,
          %parallel_loop3A_236 = arith.addf %parallel_loop3A_235, %parallel_loop3A_224 : vector<16xf32>
          tpu.vector_store_idx %arg13[%parallel_loop3A_223, %add3A_20], %parallel_loop3A_236 : memref<64x128xf32, #tpu.memory_space<vmem>>[vector<16xi32>, vector<16xi32>], vector<16xf32>,
          %parallel_loop3A_237 = tpu.vector_load_idx %arg10[%add3A_23, %parallel_loop3A_223] : memref<128x128xf32, #tpu.memory_space<vmem>>[vector<16xi32>, vector<16xi32>], vector<16xf32>,
          %parallel_loop3A_238 = arith.addf %parallel_loop3A_237, %parallel_loop3A_224 : vector<16xf32>
          tpu.vector_store_idx %arg13[%parallel_loop3A_223, %add3A_23], %parallel_loop3A_238 : memref<64x128xf32, #tpu.memory_space<vmem>>[vector<16xi32>, vector<16xi32>], vector<16xf32>,
          %parallel_loop3A_239 = tpu.vector_load_idx %arg10[%add3A_26, %parallel_loop3A_223] : memref<128x128xf32, #tpu.memory_space<vmem>>[vector<16xi32>, vector<16xi32>], vector<16xf32>,
          %parallel_loop3A_240 = arith.addf %parallel_loop3A_239, %parallel_loop3A_224 : vector<16xf32>
          tpu.vector_store_idx %arg13[%parallel_loop3A_223, %add3A_26], %parallel_loop3A_240 : memref<64x128xf32, #tpu.memory_space<vmem>>[vector<16xi32>, vector<16xi32>], vector<16xf32>,
        } {sc.loop_unroll_factor = 4 : i64, sc.parallel_access}
        %add3A_206 = arith.constant 1 : i32
        %add3A_207 = arith.addi %add3A_206, %add3A_181 : i32
        %dma_start3A_208 = arith.constant 0 : i32
        %dma_start3A_209 = tpu.memref_slice %arg6[%add3A_207, %dma_start3A_208, %mul3A_2] : memref<201x64x4096xf32, #tpu.memory_space<hbm>> -> memref<1x64x128xf32, #tpu.memory_space<hbm>>
        %dma_start3A_210 = tpu.memref_squeeze %dma_start3A_209 : memref<1x64x128xf32, #tpu.memory_space<hbm>> -> memref<64x128xf32, #tpu.memory_space<hbm>>
        %dma_start3A_211 = arith.constant 0 : i32
        %dma_start3A_212 = tpu.memref_slice %arg6[%add3A_207, %dma_start3A_211, %mul3A_2] : memref<201x64x4096xf32, #tpu.memory_space<hbm>> -> memref<1x64x128xf32, #tpu.memory_space<hbm>>
        %dma_start3A_213 = tpu.memref_squeeze %dma_start3A_212 : memref<1x64x128xf32, #tpu.memory_space<hbm>> -> memref<64x128xf32, #tpu.memory_space<hbm>>
        tpu.enqueue_dma source(%arg13 : memref<64x128xf32, #tpu.memory_space<vmem>>) target(%dma_start3A_213 : memref<64x128xf32, #tpu.memory_space<hbm>>) target_semaphore(%arg20 : memref<!tpu.dma_semaphore, #tpu.memory_space<semaphore_mem>>)
      } else {
      }
    }
    %scan3A_122 = arith.constant 67 : i32
    %dma_wait3A_123 = arith.constant 0 : i32
    %dma_wait3A_124 = arith.constant 0 : i32
    %dma_wait3A_125 = tpu.memref_slice %arg6[%dma_wait3A_123, %dma_wait3A_124, %mul3A_2] : memref<201x64x4096xf32, #tpu.memory_space<hbm>> -> memref<1x64x128xf32, #tpu.memory_space<hbm>>
    %dma_wait3A_126 = tpu.memref_squeeze %dma_wait3A_125 : memref<1x64x128xf32, #tpu.memory_space<hbm>> -> memref<64x128xf32, #tpu.memory_space<hbm>>
    %dma_wait3A_127 = arith.constant 0 : i32
    %dma_wait3A_128 = tpu.memref_slice %arg6[%dma_wait3A_123, %dma_wait3A_127, %mul3A_2] : memref<201x64x4096xf32, #tpu.memory_space<hbm>> -> memref<1x64x128xf32, #tpu.memory_space<hbm>>
    %dma_wait3A_129 = tpu.memref_squeeze %dma_wait3A_128 : memref<1x64x128xf32, #tpu.memory_space<hbm>> -> memref<64x128xf32, #tpu.memory_space<hbm>>
    tpu.wait_dma2 semaphore(%arg18 : memref<!tpu.dma_semaphore, #tpu.memory_space<semaphore_mem>>) src(%arg11 : memref<64x128xf32, #tpu.memory_space<vmem>>) dst(%dma_wait3A_129 : memref<64x128xf32, #tpu.memory_space<hbm>>)
    %dma_wait3A_130 = arith.constant 0 : i32
    %dma_wait3A_131 = arith.constant 0 : i32
    %dma_wait3A_132 = tpu.memref_slice %arg6[%dma_wait3A_130, %dma_wait3A_131, %mul3A_2] : memref<201x64x4096xf32, #tpu.memory_space<hbm>> -> memref<1x64x128xf32, #tpu.memory_space<hbm>>
    %dma_wait3A_133 = tpu.memref_squeeze %dma_wait3A_132 : memref<1x64x128xf32, #tpu.memory_space<hbm>> -> memref<64x128xf32, #tpu.memory_space<hbm>>
    %dma_wait3A_134 = arith.constant 0 : i32
    %dma_wait3A_135 = tpu.memref_slice %arg6[%dma_wait3A_130, %dma_wait3A_134, %mul3A_2] : memref<201x64x4096xf32, #tpu.memory_space<hbm>> -> memref<1x64x128xf32, #tpu.memory_space<hbm>>
    %dma_wait3A_136 = tpu.memref_squeeze %dma_wait3A_135 : memref<1x64x128xf32, #tpu.memory_space<hbm>> -> memref<64x128xf32, #tpu.memory_space<hbm>>
    tpu.wait_dma2 semaphore(%arg19 : memref<!tpu.dma_semaphore, #tpu.memory_space<semaphore_mem>>) src(%arg12 : memref<64x128xf32, #tpu.memory_space<vmem>>) dst(%dma_wait3A_136 : memref<64x128xf32, #tpu.memory_space<hbm>>)
    %dma_wait3A_137 = arith.constant 0 : i32
    %dma_wait3A_138 = arith.constant 0 : i32
    %dma_wait3A_139 = tpu.memref_slice %arg6[%dma_wait3A_137, %dma_wait3A_138, %mul3A_2] : memref<201x64x4096xf32, #tpu.memory_space<hbm>> -> memref<1x64x128xf32, #tpu.memory_space<hbm>>
    %dma_wait3A_140 = tpu.memref_squeeze %dma_wait3A_139 : memref<1x64x128xf32, #tpu.memory_space<hbm>> -> memref<64x128xf32, #tpu.memory_space<hbm>>
    %dma_wait3A_141 = arith.constant 0 : i32
    %dma_wait3A_142 = tpu.memref_slice %arg6[%dma_wait3A_137, %dma_wait3A_141, %mul3A_2] : memref<201x64x4096xf32, #tpu.memory_space<hbm>> -> memref<1x64x128xf32, #tpu.memory_space<hbm>>
    %dma_wait3A_143 = tpu.memref_squeeze %dma_wait3A_142 : memref<1x64x128xf32, #tpu.memory_space<hbm>> -> memref<64x128xf32, #tpu.memory_space<hbm>>
    tpu.wait_dma2 semaphore(%arg20 : memref<!tpu.dma_semaphore, #tpu.memory_space<semaphore_mem>>) src(%arg13 : memref<64x128xf32, #tpu.memory_space<vmem>>) dst(%dma_wait3A_143 : memref<64x128xf32, #tpu.memory_space<hbm>>)
    return
  }
}

</mosaic_0001>

<sc_bundles>
// kernel: kernel.3.cloned.1.call-start
scs
__scs_entry_jumppad:
0x0: {  	(pc) =	sbr.rel $0x88, $3  }
0x1: {  	(tag) =	ssettag $0x0;
	lr =	simm.s32 $0x1  }
0x2: {  	[smem:$0x3F9D] =	sst lr;
	_ =	strace $0xD0000000  }
0x3: {  	_ = 	snop  }
0x4: {  	_ = 	snop  }
0x5: {  	_ = 	snop  }
0x6: {  	_ = 	snop  }
0x7: {  	_ = 	snop  }
__scs_overlays_trampoline_lowered:
0x8: {  	[smem:$0x3FAC] =	sst s0  }
0x9: {  	[smem:$0x3FAD] =	sst s1  }
0xa: {  	[smem:$0x3FAE] =	sst s2  }
0xb: {  	[smem:$0x3FAF] =	sst s3  }
0xc: {  	[smem:$0x3FB0] =	sst s4  }
0xd: {  	[smem:$0x3FB1] =	sst s5  }
0xe: {  	[smem:$0x3FB2] =	sst s6  }
0xf: {  	[smem:$0x3FB3] =	sst s7  }
0x10: {  	[smem:$0x3FB4] =	sst s8  }
0x11: {  	[smem:$0x3FB5] =	sst s9;
	s0 =	simm.s32 @!p0 $0x0  }
0x12: {  	s1 =	sld [smem:$0x3F9B];
	s0 =	simm.s32 @p0 $0x1  }
0x13: {  	[smem:$0x3FB6] =	sst s0;
	s0 =	simm.s32 @!p1 $0x0  }
0x14: {  	s2 =	sld [smem:$0x3F9A];
	s0 =	simm.s32 @p1 $0x1  }
0x15: {  	[smem:$0x3FB7] =	sst s0;
	s0 =	simm.s32 @!p2 $0x0  }
0x16: {  	s3 =	sld [smem:$0x3FDB];
	s0 =	simm.s32 @p2 $0x1  }
0x17: {  	s4 =	simm.s32 $0x1BF5;
	[smem:$0x3FB9] =	sst s0  }
0x18: {  	s0 =	sld [smem:$0x3F9C];
	_ =	swait.ge [sflag:s4], $0x0  }
0x19: {  	s7 =	sld [smem:$0x3F9D]  }
0x1a: {  	s8 =	sadd.s32 $0xFFFFE003, lr  }
0x1b: {  	s9 =	sadd.s32 $0xFFFFFEF7, lr;
	s5 =	simm.s32 $0xFFFFFFFF;
	p2 =	slt.u32 s8, $0xFFFFF086  }
0x1c: {  	p1 =	slt.u32 s9, $0xF7A;
	s5 =	simm.s32 @!p2 $0x0  }
0x1d: {  	s5 =	simm.s32 @p1 $0x1;
	p0 =	seq.s32 s7, s2  }
0x1e: {  	s7 =	smul.u32 @!p0 $0xF7A, s2;
	p2 =	seq.s32 @!p0 s5, $0x0  }
0x1f: {  	s9 =	smul.u32 $0xF7A, s1;
	s8 =	simm.s32 @!p0 $0x1BF5;
	p2 =	por !p2, p0  }
0x20: {  	[sflag:s8] =	ssyncset.s32 @!p0 $0xFFFFF086;
	s6 =	sadd.s32 @!p0 s3, s7;
	s7 =	simm.s32 @!p0 $0x108  }
0x21: {  	s3 =	sadd.s32 s3, s9;
	s6 =	sadd.s32 @!p0 $0x88, s6;
	s7 =	simm.s32 @p2 $0x1082  }
0x22: {  	[simem:s7], [sflag:s8] =	dma.local @!p0 [hbm:s6], $0xF7A  }
0x23: {  	s9 =	sor.u32 $0xD0000000, s2;
	s6 =	simm.s32 $0x108;
	_ =	swait.ge @!p0 [sflag:s8], $0x0  }
0x24: {  	s3 =	sadd.s32 $0x88, s3;
	s6 =	simm.s32 @!p1 $0x1082;
	[sflag:s4] =	ssyncset.s32 $0xFFFFF086  }
0x25: {  	[simem:s6], [sflag:s4] =	dma.local [hbm:s3], $0xF7A  }
0x26: {  	[smem:$0x3F9D] =	sst s1;
	(tag) =	ssettag s2;
	_ =	strace s9  }
0x27: {  	s1 =	sld [smem:$0x3FAD]  }
0x28: {  	s2 =	sld [smem:$0x3FAE]  }
0x29: {  	s4 =	sld [smem:$0x3FB0]  }
0x2a: {  	p0 =	seq.s32 s5, $0x0;
	s5 =	sld [smem:$0x3FB1]  }
0x2b: {  	s6 =	sld [smem:$0x3FB2]  }
0x2c: {  	s7 =	sld [smem:$0x3FB3]  }
0x2d: {  	s3 =	simm.s32 $0x108;
	s8 =	sld [smem:$0x3FB4]  }
0x2e: {  	s3 =	simm.s32 @!p0 $0x1082;
	s9 =	sld [smem:$0x3FB5]  }
0x2f: {  	lr =	sadd.s32 s0, s3;
	s0 =	sld [smem:$0x3FAC]  }
0x30: {  	s3 =	sld [smem:$0x3FAF]  }
0x31: {  	[smem:$0x3FB8] =	sst s10  }
0x32: {  	s10 =	sld [smem:$0x3FB6];
	_ =	sdelay $0x3  }
0x33: {  	p0 =	seq.s32 s10, $0x1;
	s10 =	sld [smem:$0x3FB8];
	_ =	sdelay $0x3  }
0x34: {  	[smem:$0x3FB8] =	sst s10  }
0x35: {  	s10 =	sld [smem:$0x3FB7];
	_ =	sdelay $0x3  }
0x36: {  	p1 =	seq.s32 s10, $0x1;
	s10 =	sld [smem:$0x3FB8];
	_ =	sdelay $0x3  }
0x37: {  	[smem:$0x3FB8] =	sst s10  }
0x38: {  	s10 =	sld [smem:$0x3FB9]  }
0x39: {  	_ = 	snop;
	(pc) =	sbr.ind lr, $3  }
0x3a: {  	_ = 	snop  }
0x3b: {  	_ = 	snop  }
0x3c: {  	p2 =	seq.s32 s10, $0x1;
	s10 =	sld [smem:$0x3FB8]  }
0x3d: {  	_ =	shalt  }
0x3e: {  	_ =	shalt  }
0x3f: {  	_ =	shalt  }
0x40: {  	_ =	shalt  }
0x41: {  	_ =	shalt  }
0x42: {  	_ =	shalt  }
0x43: {  	_ =	shalt  }
0x44: {  	_ =	shalt  }
0x45: {  	_ =	shalt  }
0x46: {  	_ =	shalt  }
0x47: {  	_ =	shalt  }
0x48: {  	_ =	shalt  }
0x49: {  	_ =	shalt  }
0x4a: {  	_ =	shalt  }
0x4b: {  	_ =	shalt  }
0x4c: {  	_ =	shalt  }
0x4d: {  	_ =	shalt  }
0x4e: {  	_ =	shalt  }
0x4f: {  	_ =	shalt  }
0x50: {  	_ =	shalt  }
0x51: {  	_ =	shalt  }
0x52: {  	_ =	shalt  }
0x53: {  	_ =	shalt  }
0x54: {  	_ =	shalt  }
0x55: {  	_ =	shalt  }
0x56: {  	_ =	shalt  }
0x57: {  	_ =	shalt  }
0x58: {  	_ =	shalt  }
0x59: {  	_ =	shalt  }
0x5a: {  	_ =	shalt  }
0x5b: {  	_ =	shalt  }
0x5c: {  	_ =	shalt  }
0x5d: {  	_ =	shalt  }
0x5e: {  	_ =	shalt  }
0x5f: {  	_ =	shalt  }
0x60: {  	_ =	shalt  }
0x61: {  	_ =	shalt  }
0x62: {  	_ =	shalt  }
0x63: {  	_ =	shalt  }
0x64: {  	_ =	shalt  }
0x65: {  	_ =	shalt  }
0x66: {  	_ =	shalt  }
0x67: {  	_ =	shalt  }
0x68: {  	_ =	shalt  }
0x69: {  	_ =	shalt  }
0x6a: {  	_ =	shalt  }
0x6b: {  	_ =	shalt  }
0x6c: {  	_ =	shalt  }
0x6d: {  	_ =	shalt  }
0x6e: {  	_ =	shalt  }
0x6f: {  	_ =	shalt  }
0x70: {  	_ =	shalt  }
0x71: {  	_ =	shalt  }
0x72: {  	_ =	shalt  }
0x73: {  	_ =	shalt  }
0x74: {  	_ =	shalt  }
0x75: {  	_ =	shalt  }
0x76: {  	_ =	shalt  }
0x77: {  	_ =	shalt  }
0x78: {  	_ =	shalt  }
0x79: {  	_ =	shalt  }
0x7a: {  	_ =	shalt  }
0x7b: {  	_ =	shalt  }
0x7c: {  	_ =	shalt  }
0x7d: {  	_ =	shalt  }
0x7e: {  	_ =	shalt  }
0x7f: {  	_ =	shalt  }
0x80: {  	_ =	shalt  }
0x81: {  	_ =	shalt  }
0x82: {  	_ =	shalt  }
0x83: {  	_ =	shalt  }
0x84: {  	_ =	shalt  }
0x85: {  	_ =	shalt  }
0x86: {  	_ =	shalt  }
0x87: {  	_ =	shalt  }
.Lfunc_end0:
.L_simem_size_0:
called_computation_lowered:
.L_overlay_start_0:
0x88: {  	s2 =	sld [smem:$0x3FD9]  }
0x89: {  	s3 =	sld [smem:$0x3FFE];
	_ =	sdelay $0x1  }
0x8a: {  	s1 =	srdreg.scid  }
0x8b: {  	s0 =	sand.u32 $0x1, s1  }
0x8c: {  	s17 =	sshll.u32 s0, $0xA;
	s2 =	sadd.s32 s3, s2  }
0x8d: {  	s2 =	sadd.s32 s2, s17  }
0x8e: {  	[smem:$0x3FC4] =	sst s2  }
0x8f: {  	_ = 	snop  }
0x90: {  	s2 =	sld [smem:$0x3FC9]  }
0x91: {  	s18 =	sld [smem:$0x3FC8]  }
0x92: {  	s4 =	sld [smem:$0x3FD0];
	(tm) =	ssettm $0x1  }
0x93: {  	s5 =	sld [smem:$0x3FFB];
	_ =	sdelay $0x3  }
0x94: {  	_ =	strace s5  }
0x95: {  	s5 =	sld [smem:$0x3FFC];
	_ =	sdelay $0x3  }
0x96: {  	_ =	strace s5  }
0x97: {  	s5 =	sld [smem:$0x3FFD];
	_ =	sdelay $0x3  }
0x98: {  	_ =	strace s5  }
0x99: {  	_ =	strace $0x8FFFFFFF  }
0x9a: {  	s19 =	sld [smem:$0x3FDB];
	_ =	sdelay $0x1  }
0x9b: {  	s6 =	simm.s32 $_scs_section_size  }
0x9c: {  	s7 =	simm.s32 $_size__tile_overlayer_lowered;
	s8 =	simm.s32 $_tile_overlayer_lowered  }
0x9d: {  	s22 =	simm.s32 $0x1BFF;
	s21 =	sshll.u32 s8, $0x1;
	s5 =	sadd.s32 s6, s19  }
0x9e: {  	s9 =	simm.s32 $0x0;
	s20 =	sshll.u32 s7, $0x1;
	s7 =	sadd.s32 s21, s5  }
0x9f: {  	[timem:s9], [sflag:s22] =	dma.local [hbm:s7], s20  }
0xa0: {  	_ =	swait.ge [sflag:s22], s20  }
0xa1: {  	s6 =	ssub.s32 $0x0, s20;
	[sflag:s22] =	ssyncset.done $0x0  }
0xa2: {  	[sflag:s22] =	ssyncadd.s32 s6;
	_ =	sdelay $0x1  }
0xa3: {  	s23 =	simm.s32 $0x1B8B  }
0xa4: {  	_ =	swait.ge [sflag:s23], $0x1  }
0xa5: {  	[sflag:s23] =	ssyncset.done $0x0  }
0xa6: {  	s25 =	simm.s32 $0x1B8E;
	s24 =	sld [smem:$0x3FFE];
	[sflag:s23] =	ssyncadd.s32 $0xFFFFFFFF  }
0xa7: {  	s26 =	simm.s32 $execute0_lowered;
	[smem:$0x3FD2] =	sst s25  }
0xa8: {  	s7 =	sshll.u32 s26, $0x1;
	_ =	strace $0x80000046;
	[dreg:$0x1] =	wrdreg $0xFFFFFFFF  }
0xa9: {  	s28 =	simm.s32 $_size_execute0_lowered;
	s5 =	sadd.s32 s5, s7;
	[dreg:$0x0] =	wrdreg $0x0  }
0xaa: {  	s7 =	sshll.u32 s28, $0x1;
	[dreg:$0x2] =	wrdreg s5  }
0xab: {  	[dreg:$0x3] =	wrdreg s7  }
0xac: {  	[dreg:$0x4] =	wrdreg $0xC0  }
0xad: {  	_ =	task [dreg:s9], $0x5FFFF  }
0xae: {  	[dreg:$0x1] =	wrdreg $0xFFFFFFFF  }
0xaf: {  	[dreg:$0x0] =	wrdreg $0x60  }
0xb0: {  	[dreg:$0x2] =	wrdreg s2  }
0xb1: {  	[dreg:$0x3] =	wrdreg s18  }
0xb2: {  	[dreg:$0x4] =	wrdreg s24  }
0xb3: {  	[dreg:$0x5] =	wrdreg s4  }
0xb4: {  	[dreg:$0x6] =	wrdreg $0x9  }
0xb5: {  	_ =	task.clear_ibuf [dreg:s9], $0x7FFFF;
	_ =	strace $0x90000046  }
0xb6: {  	s29 =	simm.s32 $0x9;
	_ =	strace $0x80000048  }
0xb7: {  	_ =	swait.ge [sflag:s29], $0x1  }
0xb8: {  	[sflag:s29] =	ssyncadd.s32 $0xFFFFFFFF  }
0xb9: {  	_ =	strace $0x90000048  }
0xba: {  	_ =	sfence  }
0xbb: {  	s30 =	sld [smem:$0x0];
	_ =	sdelay $0x2  }
0xbc: {  	s31 =	sshll.u32 s1, $0xD;
	s1 =	sshrl.u32 s1, $0x2  }
0xbd: {  	s3 =	sand.u32 $0x4000, s31;
	s1 =	sadd.s32 s1, s30  }
0xbe: {  	s0 =	sor.u32 s3, s0;
	s1 =	sshll.u32 s1, $0x11  }
0xbf: {  	s0 =	sor.u32 s1, s0  }
0xc0: {  	s0 =	sadd.s32 $0x8F2B, s0  }
0xc1: {  	[sflag:s0] =	ssyncadd.remote.s32 $0x1  }
0xc2: {  	_ =	sfence.sel $0xFFFF  }
0xc3: {  	[dreg:$0x0] =	wrdreg $0xFFFFFFFF;
	(pc) =	sbr.abs _section_cstart, $3  }
0xc4: {  	[dreg:$0x1] =	wrdreg $0xFFFFFFFF  }
0xc5: {  	_ =	task.clear_ibuf [dreg:s9], $0x2FFFF;
	_ =	strace $0x9FFFFFFF  }
0xc6: {  	(tm) =	ssettm $0x7FFFFFFF  }
0xc7: {  	_ =	shalt  }
tec
execute0_lowered:
.L_overlay_start_1:
0x0: {  	(tag) =	ssettag $0x1  }
0x1: {  	s0 =	rddreg [dreg:$0x0]  }
0x2: {  	s2 =	rddreg [dreg:$0x1]  }
0x3: {  	s3 =	rddreg [dreg:$0x2];
	s4 =	simm.s32 $0x0;
	v47 =	vlaneseq.u32  }
0x4: {  	[smem:$0x7FF] =	sst s4;
	v12 =	vor.u32 $0x50, v47  }
0x5: {  	s1 =	rddreg [dreg:$0x3];
	s22 =	srdreg.scid;
	v59 =	vor.u32 $0x40, v47;
	_ =	strace $0x80000047;
	[tilespmem:$0x1FF20] =	vst v12  }
0x6: {  	s5 =	stileid.u32;
	s12 =	simm.s32 $0x400;
	s13 =	simm.s32 $0x8000;
	v10 =	vor.u32 $0x20, v47;
	[tilespmem:$0x1FF40] =	vst v59  }
0x7: {  	s15 =	simm.s32 $0x18400;
	s16 =	simm.s32 $0x12400;
	s18 =	simm.s32 $0x20;
	v51 =	vor.u32 $0x10, v47;
	[tilespmem:$0x1FF50] =	vst v10  }
0x8: {  	s19 =	simm.s32 $0x6400;
	s29 =	simm.s32 $0xB400;
	s31 =	simm.s32 $0xC400;
	v58 =	vor.u32 $0x30, v47;
	[tilespmem:$0x1FF80] =	vst v51  }
0x9: {  	s21 =	simm.s32 $0x1;
	s28 =	simm.s32 $0x14400;
	s9 =	simm.s32 $0x0;
	v60 =	vor.u32 $0x70, v47;
	[tilespmem:$0x1FFB0] =	vst v58  }
0xa: {  	s4 =	sand.u32 $0x1, s22;
	s5 =	sshll.u32 s5, $0xB;
	s22 =	simm.s32 $0x8400;
	v4 =	vmul.u32 $0x80, v47;
	v31 =	vor.u32 $0x60, v47;
	[tilespmem:$0x1FFC0] =	vst v60  }
0xb: {  	s6 =	ssub.s32 $0x2, s4;
	s7 =	sshll.u32 s4, $0xA;
	s4 =	sadd.s32 $0xF43800, s3;
	[tilespmem:$0x1FFE0] =	vst v31  }
0xc: {  	s3 =	sadd.s32 $0xF42A00, s3;
	s8 =	sshrl.u32 s6, $0x1;
	s5 =	sor.u32 s7, s5;
	v18 =	vor.u32 $0x3000, v4;
	[tilespmem:$0x1FF10] =	vst v4  }
0xd: {  	[dreg:$0x5] =	wrdreg s3;
	v44 =	vor.u32 $0x1000, v4;
	s7 =	simm.s32 $0xE400;
	s23 =	ssub.s32 s6, s8;
	[tilespmem:$0x1FF30] =	vst v18  }
0xe: {  	v54 =	vor.u32 $0x800, v4;
	s24 =	sshrl.u32 s5, $0x3;
	s10 =	sor.u32 $0x40000, s5;
	s6 =	simm.s32 $0x3;
	[tilespmem:$0x1FF60] =	vst v44  }
.Ltmp0:
0xf: {  	v62 =	vor.u32 $0x2000, v4;
	s8 =	simm.s32 $0x16400;
	[tilespmem:$0x1FF70] =	vst v54;
	s0 =	sadd.s32 s0, s24;
	(pc) =	sbr.rel .LBB2_1-.Ltmp0, $4  }
0x10: {  	v57 =	vor.u32 $0x1800, v4;
	[tilespmem:$0x1FF90] =	vst v62;
	s25 =	sadd.s32 s2, s24;
	s26 =	sadd.s32 s1, s24;
	[dreg:$0x6] =	wrdreg s0  }
0x11: {  	v15 =	vor.u32 $0x3800, v4;
	[tilespmem:$0x1FFA0] =	vst v57;
	s30 =	smax.u32 s23, $0x1;
	s24 =	simm.s32 $0x9400;
	[dreg:$0x7] =	wrdreg s25  }
0x12: {  	v63 =	vor.u32 $0x2800, v4;
	[tilespmem:$0x1FFD0] =	vst v15;
	s2 =	simm.s32 $0xD400;
	s23 =	simm.s32 $0x2;
	[dreg:$0x8] =	wrdreg s26  }
0x13: {  	[tilespmem:$0x1FFF0] =	vst v63;
	[dreg:$0x9] =	wrdreg s30;
	s26 =	simm.s32 $0xA400;
	s25 =	simm.s32 $0x5  }
.LBB2_14:
0x14: {  	s0 =	simm.s32 $0x4  }
0x15: {  	_ =	swait.ge [sflag:s0], $0x2000  }
0x16: {  	[sflag:s0] =	ssyncset.done $0x0  }
0x17: {  	[sflag:s0] =	ssyncadd.s32 $0xFFFFE000  }
0x18: {  	_ =	swait.ge [sflag:s25], $0x2000  }
0x19: {  	[sflag:s25] =	ssyncset.done $0x0  }
0x1a: {  	s3 =	simm.s32 $0x6;
	[sflag:s25] =	ssyncadd.s32 $0xFFFFE000  }
0x1b: {  	_ =	swait.ge [sflag:s3], $0x2000  }
0x1c: {  	s9 =	rddreg [dreg:$0xa]  }
0x1d: {  	s30 =	rddreg [dreg:$0x9];
	s9 =	sadd.s32 $0x1, s9  }
0x1e: {  	p0 =	sne.s32 s9, s30  }
.Ltmp1:
0x1f: {  	_ = 	snop;
	(pc) =	sbr.rel @!p0 .LBB2_15-.Ltmp1, $3  }
0x20: {  	_ =	sdelay $0x1  }
0x21: {  	[sflag:s3] =	ssyncset.done $0x0  }
0x22: {  	v4 =	vld [tilespmem:$0x1FF10];
	[sflag:s3] =	ssyncadd.s32 $0xFFFFE000  }
.LBB2_1:
0x23: {  	[dreg:$0xa] =	wrdreg s9  }
0x24: {  	s0 =	simm.s32 $0x0;
	s3 =	rddreg [dreg:$0x6];
	s11 =	simm.s32 $0x8  }
0x25: {  	[tilespmem:s0], [sflag:$0x8] =	stream.strided.gather [hbm4b:s3+s12], $0x6400, s13, s12, $0x38;
	[tilespmem:$0x1E800] =	vst v63  }
0x26: {  	_ =	swait.ge [sflag:s11], $0x6400  }
0x27: {  	[sflag:s11] =	ssyncset.done $0x0  }
0x28: {  	s14 =	rddreg [dreg:$0x5];
	[sflag:s11] =	ssyncadd.s32 $0xFFFF9C00  }
0x29: {  	[tilespmem:s15], [sflag:$0x8] =	stream.linear.gather [hbm4b:s14+s0], $0x6400, $0x38;
	[tilespmem:$0x1E800] =	vst v63  }
0x2a: {  	_ =	swait.ge [sflag:s11], $0x6400  }
0x2b: {  	[sflag:s11] =	ssyncset.done $0x0  }
0x2c: {  	s17 =	rddreg [dreg:$0x7];
	[sflag:s11] =	ssyncadd.s32 $0xFFFF9C00  }
0x2d: {  	[tilespmem:s16], [sflag:$0x8] =	stream.strided.gather [hbm4b:s17+s12], $0x2000, s13, s12, $0x38;
	[tilespmem:$0x1E800] =	vst v63  }
0x2e: {  	_ =	swait.ge [sflag:s11], $0x2000  }
0x2f: {  	[sflag:s11] =	ssyncset.done $0x0  }
0x30: {  	s30 =	simm.s32 $0x7;
	s20 =	rddreg [dreg:$0x8];
	[sflag:s11] =	ssyncadd.s32 $0xFFFFE000  }
0x31: {  	[hbm4b:s20+s12] =	stream.strided.scatter [tilespmem:s16], [sflag:$0x7], $0x2000, s13, s12, $0x38;
	[tilespmem:$0x1E800] =	vst v63  }
0x32: {  	_ =	swait.ge [sflag:s30], $0x2000  }
0x33: {  	[sflag:s30] =	ssyncset.done $0x0  }
0x34: {  	[sflag:s30] =	ssyncadd.s32 $0xFFFFE000  }
0x35: {  	[tilespmem:s19], [sflag:$0x1] =	stream.indirect.gather [hbm4b:s4+s18], $0x80, s0, s18, $0xb8;
	[tilespmem:$0x1E800] =	vst v63  }
0x36: {  	s3 =	simm.s32 $0x7400  }
0x37: {  	[tilespmem:s3], [sflag:$0x1] =	stream.indirect.gather [hbm4b:s4+s18], $0x80, s18, s18, $0xb8;
	[tilespmem:$0x1E800] =	vst v63  }
0x38: {  	s9 =	simm.s32 $0x40  }
0x39: {  	[tilespmem:s22], [sflag:$0x1] =	stream.indirect.gather [hbm4b:s4+s18], $0x80, s9, s18, $0xb8;
	[tilespmem:$0x1E800] =	vst v63  }
0x3a: {  	s11 =	simm.s32 $0x60  }
0x3b: {  	[tilespmem:s24], [sflag:$0x1] =	stream.indirect.gather [hbm4b:s4+s18], $0x80, s11, s18, $0xb8;
	[tilespmem:$0x1E800] =	vst v63  }
0x3c: {  	s14 =	simm.s32 $0x80  }
0x3d: {  	[tilespmem:s26], [sflag:$0x2] =	stream.indirect.gather [hbm4b:s4+s18], $0x80, s14, s18, $0xb8;
	[tilespmem:$0x1E800] =	vst v63  }
0x3e: {  	s17 =	simm.s32 $0xA0  }
0x3f: {  	[tilespmem:s29], [sflag:$0x2] =	stream.indirect.gather [hbm4b:s4+s18], $0x80, s17, s18, $0xb8;
	[tilespmem:$0x1E800] =	vst v63  }
0x40: {  	s20 =	simm.s32 $0xC0  }
0x41: {  	[tilespmem:s31], [sflag:$0x2] =	stream.indirect.gather [hbm4b:s4+s18], $0x80, s20, s18, $0xb8;
	[tilespmem:$0x1E800] =	vst v63  }
0x42: {  	s30 =	simm.s32 $0xE0;
	s11 =	simm.s32 $0x0  }
0x43: {  	[tilespmem:s2], [sflag:$0x2] =	stream.indirect.gather [hbm4b:s4+s18], $0x80, s30, s18, $0xb8;
	[tilespmem:$0x1E800] =	vst v63  }
.LBB2_2:
0x44: {  	s30 =	smul.u32 $0x3, s11;
	_ =	sdelay $0x1  }
0x45: {  	p1 =	seq.s32 s11, $0x42;
	s3 =	sadd.s32 $0x2, s30  }
0x46: {  	s0 =	sshll.u32 @!p1 s3, $0x7  }
0x47: {  	s17 =	simm.s32 @!p1 $0x20;
	s14 =	simm.s32 @!p1 $0xE400;
	s0 =	sand.u32 @!p1 $0x3FFFFF80, s0  }
0x48: {  	[tilespmem:s14], [sflag:$0x3] =	stream.indirect.gather @!p1 [hbm4b:s4+s17], $0x80, s0, s17, $0xb8;
	[tilespmem:$0x1E800] =	vst v63  }
0x49: {  	s9 =	simm.s32 @!p1 $0xF400;
	s14 =	sor.u32 @!p1 $0x20, s0  }
0x4a: {  	[tilespmem:s9], [sflag:$0x3] =	stream.indirect.gather @!p1 [hbm4b:s4+s17], $0x80, s14, s17, $0xb8;
	[tilespmem:$0x1E800] =	vst v63  }
0x4b: {  	s9 =	sor.u32 @!p1 $0x40, s0;
	s14 =	simm.s32 @!p1 $0x10400  }
0x4c: {  	[tilespmem:s14], [sflag:$0x3] =	stream.indirect.gather @!p1 [hbm4b:s4+s17], $0x80, s9, s17, $0xb8;
	[tilespmem:$0x1E800] =	vst v63  }
0x4d: {  	s0 =	sor.u32 @!p1 $0x60, s0;
	s9 =	simm.s32 @!p1 $0x11400  }
0x4e: {  	[tilespmem:s9], [sflag:$0x3] =	stream.indirect.gather @!p1 [hbm4b:s4+s17], $0x80, s0, s17, $0xb8;
	[tilespmem:$0x1E800] =	vst v63  }
0x4f: {  	s17 =	simm.s32 $0x3  }
0x50: {  	s20 =	sshll.u32 s30, $0x7;
	v0 =	vmov s17;
	v1 =	vadd.s32 s17, v47  }
0x51: {  	v6 =	vmov s20;
	s14 =	simm.s32 $0x1;
	v0 =	vand.u32 $0x30, v0;
	v1 =	vand.u32 $0xF, v1  }
0x52: {  	v2 =	vmov s14;
	v3 =	vadd.s32 s14, v47;
	_ =	swait.ge [sflag:s21], $0x4000;
	v17 =	vor.u32 v0, v1  }
0x53: {  	p0 =	seq.s32 s11, $0x0;
	[sflag:s21] =	ssyncset.done $0x0;
	v0 =	vand.u32 $0xF, v3;
	v1 =	vand.u32 $0x30, v2;
	v2 =	vor.u32 v6, v17  }
0x54: {  	s0 =	simm.s32 @!p0 $0x4;
	[sflag:s21] =	ssyncadd.s32 $0xFFFFC000;
	v20 =	vor.u32 v1, v0;
	v0 =	vor.u32 v4, v17  }
0x55: {  	_ =	swait.ge @!p0 [sflag:s0], $0x2000;
	v1 =	vor.u32 v6, v20  }
0x56: {  	[sflag:s0] =	ssyncset.done @!p0 $0x0;
	v3 =	vor.u32 v4, v20  }
0x57: {  	s17 =	simm.s32 $0x0;
	[sflag:s0] =	ssyncadd.s32 @!p0 $0xFFFFE000  }
0x58: {  	s20 =	simm.s32 $0x2;
	v23 =	vmov s17;
	v16 =	vld.idx.msk [tilespmem:v2+s15+$0x0], $0xffff  }
0x59: {  	v18 =	vadd.s32 s20, v47;
	v19 =	vmov s20;
	v25 =	vand.u32 $0x30, v23;
	v0 =	vld.idx.msk [tilespmem:v0+s19+$0x0], $0xffff  }
0x5a: {  	v22 =	vshll.u32 v17, $0x7;
	v24 =	vor.u32 v54, v17;
	v2 =	vadd.s32 s17, v47;
	v21 =	vld.idx.msk [tilespmem:v1+s15+$0x0], $0xffff  }
0x5b: {  	v1 =	vand.u32 $0xF, v18;
	v18 =	vand.u32 $0x30, v19;
	v3 =	vld.idx.msk [tilespmem:v3+s19+$0x0], $0xffff;
	v19 =	vor.u32 v47, v22  }
0x5c: {  	v29 =	vshll.u32 v20, $0x7;
	v2 =	vand.u32 $0xF, v2;
	v23 =	vor.u32 v18, v1  }
0x5d: {  	v26 =	vor.u32 v47, v29;
	v27 =	vor.u32 v25, v2;
	v2 =	vor.u32 v4, v23  }
0x5e: {  	v1 =	vor.u32 v54, v20;
	v0 =	vadd.f32 v0, v16  }
0x5f: {  	v18 =	vor.u32 v6, v23  }
0x60: {  	v3 =	vadd.f32 v3, v21;
	[tilespmem:v19+s16+$0x0] =	vst.idx.msk $0xffff, v0  }
0x61: {  	v24 =	vld.idx.msk [tilespmem:v24+s19+$0x0], $0xffff  }
0x62: {  	v25 =	vor.u32 v4, v27;
	[tilespmem:v26+s16+$0x0] =	vst.idx.msk $0xffff, v3;
	v2 =	vld.idx.msk [tilespmem:v2+s19+$0x0], $0xffff  }
0x63: {  	v0 =	vor.u32 v6, v27;
	v3 =	vor.u32 v51, v22;
	v1 =	vld.idx.msk [tilespmem:v1+s19+$0x0], $0xffff  }
0x64: {  	v19 =	vld.idx.msk [tilespmem:v18+s15+$0x0], $0xffff  }
0x65: {  	v28 =	vor.u32 v51, v29;
	v32 =	vshll.u32 v23, $0x7  }
0x66: {  	v30 =	vor.u32 v47, v32;
	v24 =	vadd.f32 v24, v16  }
0x67: {  	v26 =	vor.u32 v44, v17;
	v25 =	vld.idx.msk [tilespmem:v25+s19+$0x0], $0xffff  }
0x68: {  	v14 =	vld.idx.msk [tilespmem:v0+s15+$0x0], $0xffff;
	v1 =	vadd.f32 v1, v21;
	[tilespmem:v3+s16+$0x0] =	vst.idx.msk $0xffff, v24;
	v3 =	vor.u32 v54, v23  }
0x69: {  	v34 =	vshll.u32 v27, $0x7;
	v2 =	vadd.f32 v2, v19  }
0x6a: {  	s20 =	simm.s32 $0x7;
	v0 =	vor.u32 v44, v20;
	[tilespmem:v28+s16+$0x0] =	vst.idx.msk $0xffff, v1;
	v1 =	vor.u32 v47, v34  }
0x6b: {  	v53 =	vmov s20;
	v55 =	vadd.s32 s20, v47;
	s14 =	simm.s32 $0x5;
	[tilespmem:v30+s16+$0x0] =	vst.idx.msk $0xffff, v2;
	v30 =	vor.u32 v54, v27  }
0x6c: {  	v56 =	vand.u32 $0xF, v55;
	v38 =	vmov s14;
	v36 =	vor.u32 v62, v17;
	v26 =	vld.idx.msk [tilespmem:v26+s19+$0x0], $0xffff  }
0x6d: {  	v35 =	vor.u32 v57, v17;
	v33 =	vor.u32 v10, v22;
	v25 =	vadd.f32 v25, v14;
	v3 =	vld.idx.msk [tilespmem:v3+s19+$0x0], $0xffff  }
0x6e: {  	v37 =	vor.u32 v57, v20;
	v41 =	vor.u32 v58, v22;
	v50 =	vor.u32 v60, v22;
	s0 =	simm.s32 $0x4  }
0x6f: {  	v52 =	vadd.s32 s14, v47;
	v43 =	vadd.s32 s0, v47;
	s17 =	simm.s32 $0x6;
	v39 =	vor.u32 v51, v32;
	v0 =	vld.idx.msk [tilespmem:v0+s19+$0x0], $0xffff;
	[tilespmem:v1+s16+$0x0] =	vst.idx.msk $0xffff, v25  }
0x70: {  	v45 =	vadd.s32 s17, v47;
	v48 =	vor.u32 v63, v23;
	v25 =	vor.u32 v44, v23;
	v30 =	vld.idx.msk [tilespmem:v30+s19+$0x0], $0xffff  }
0x71: {  	v42 =	vor.u32 v44, v27;
	v26 =	vadd.f32 v26, v16;
	v1 =	vor.u32 v10, v29  }
0x72: {  	v40 =	vor.u32 v10, v32;
	v46 =	vor.u32 v51, v34;
	v3 =	vadd.f32 v3, v19  }
0x73: {  	v7 =	vor.u32 v60, v32;
	v44 =	vand.u32 $0xF, v52;
	[tilespmem:v33+s16+$0x0] =	vst.idx.msk $0xffff, v26;
	v26 =	vand.u32 $0x30, v38  }
0x74: {  	v0 =	vadd.f32 v0, v21;
	v38 =	vor.u32 v26, v44;
	v26 =	vand.u32 $0x30, v53;
	[tilespmem:v39+s16+$0x0] =	vst.idx.msk $0xffff, v3  }
0x75: {  	v3 =	vor.u32 v6, v38;
	v39 =	vor.u32 v26, v56;
	v61 =	vld.idx.msk [tilespmem:v25+s19+$0x0], $0xffff;
	v25 =	vadd.f32 v30, v14  }
0x76: {  	v59 =	vand.u32 $0xF, v45;
	v49 =	vld.idx.msk [tilespmem:v35+s19+$0x0], $0xffff;
	v45 =	vshll.u32 v38, $0x7;
	[tilespmem:v1+s16+$0x0] =	vst.idx.msk $0xffff, v0;
	v30 =	vor.u32 v6, v39  }
0x77: {  	v55 =	vmov s0;
	v47 =	vor.u32 v4, v38;
	v5 =	vor.u32 v60, v45;
	[tilespmem:v46+s16+$0x0] =	vst.idx.msk $0xffff, v25  }
0x78: {  	v0 =	vand.u32 $0xF, v43;
	v26 =	vmov s17;
	v1 =	vld.idx.msk [tilespmem:v37+s19+$0x0], $0xffff;
	v43 =	vor.u32 v4, v39;
	[tilespmem:$0x1FEE0] =	vst v5  }
0x79: {  	v28 =	vor.u32 v57, v23;
	v56 =	vand.u32 $0x30, v55;
	v26 =	vand.u32 $0x30, v26;
	v44 =	vld.idx.msk [tilespmem:v42+s19+$0x0], $0xffff  }
0x7a: {  	v11 =	vmov v4;
	v37 =	vor.u32 v56, v0;
	v35 =	vor.u32 v26, v59;
	v26 =	vld.idx.msk [tilespmem:v3+s15+$0x0], $0xffff;
	[tilespmem:$0x1FEF0] =	vst v6  }
0x7b: {  	v2 =	vor.u32 v10, v34;
	v0 =	vadd.f32 v49, v16;
	v52 =	vor.u32 v6, v37;
	v49 =	vld.idx.msk [tilespmem:v30+s15+$0x0], $0xffff  }
0x7c: {  	v24 =	vor.u32 v60, v29;
	v59 =	vor.u32 v4, v35;
	v61 =	vadd.f32 v61, v19;
	v53 =	vld.idx.msk [tilespmem:v47+s19+$0x0], $0xffff  }
0x7d: {  	v57 =	vor.u32 v57, v27;
	[tilespmem:v41+s16+$0x0] =	vst.idx.msk $0xffff, v0;
	v0 =	vor.u32 v4, v37;
	v43 =	vld.idx.msk [tilespmem:v43+s19+$0x0], $0xffff  }
0x7e: {  	v10 =	vlaneseq.u32;
	v4 =	vmovc v54;
	v54 =	vor.u32 v58, v29;
	[tilespmem:v40+s16+$0x0] =	vst.idx.msk $0xffff, v61;
	v30 =	vadd.f32 v44, v14  }
0x7f: {  	v25 =	vor.u32 v60, v34;
	v60 =	vor.u32 v10, v45;
	v3 =	vor.u32 v6, v35;
	v55 =	vld.idx.msk [tilespmem:v28+s19+$0x0], $0xffff  }
0x80: {  	v5 =	vmov v62;
	v1 =	vadd.f32 v1, v21;
	v6 =	vmov v58;
	v51 =	vld.idx.msk [tilespmem:v52+s15+$0x0], $0xffff;
	[tilespmem:v2+s16+$0x0] =	vst.idx.msk $0xffff, v30  }
0x81: {  	v58 =	vor.u32 v5, v20;
	v62 =	vld.idx.msk [tilespmem:v59+s19+$0x0], $0xffff;
	v2 =	vor.u32 v6, v32;
	[tilespmem:$0x1FF00] =	vst v7  }
0x82: {  	v33 =	vshll.u32 v37, $0x7;
	v46 =	vor.u32 v63, v35;
	v42 =	vshll.u32 v39, $0x7;
	v59 =	vld.idx.msk [tilespmem:v36+s19+$0x0], $0xffff  }
0x83: {  	v41 =	vor.u32 v15, v20;
	v0 =	vld.idx.msk [tilespmem:v0+s19+$0x0], $0xffff;
	[tilespmem:v54+s16+$0x0] =	vst.idx.msk $0xffff, v1;
	v1 =	vadd.f32 v53, v26  }
0x84: {  	v47 =	vor.u32 v31, v29;
	v8 =	vor.u32 v4, v39;
	v40 =	vld.idx.msk [tilespmem:v3+s15+$0x0], $0xffff;
	v55 =	vadd.f32 v55, v19  }
0x85: {  	v61 =	vor.u32 v10, v42;
	v3 =	vor.u32 v5, v23;
	v57 =	vld.idx.msk [tilespmem:v57+s19+$0x0], $0xffff;
	[tilespmem:v60+s16+$0x0] =	vst.idx.msk $0xffff, v1  }
0x86: {  	v7 =	vmov v63;
	v54 =	vor.u32 v10, v33;
	v63 =	vld.idx.msk [tilespmem:v58+s19+$0x0], $0xffff;
	[tilespmem:v2+s16+$0x0] =	vst.idx.msk $0xffff, v55  }
0x87: {  	v52 =	vor.u32 v4, v38;
	v44 =	vor.u32 v31, v34;
	v36 =	vor.u32 v15, v27;
	v4 =	vld [tilespmem:$0x1FF40]  }
0x88: {  	v53 =	vor.u32 v6, v34;
	v1 =	vor.u32 v5, v27;
	v2 =	vadd.f32 v43, v49  }
0x89: {  	v55 =	vor.u32 v7, v20;
	v59 =	vadd.f32 v59, v16;
	v56 =	vadd.f32 v0, v51  }
0x8a: {  	[tilespmem:v61+s16+$0x0] =	vst.idx.msk $0xffff, v2;
	v58 =	vadd.f32 v62, v40;
	v62 =	vld.idx.msk [tilespmem:v3+s19+$0x0], $0xffff;
	v3 =	vadd.f32 v57, v14  }
0x8b: {  	v43 =	vshll.u32 v35, $0x7;
	v2 =	vadd.f32 v63, v21;
	[tilespmem:v54+s16+$0x0] =	vst.idx.msk $0xffff, v56;
	v56 =	vor.u32 v7, v17  }
0x8c: {  	s17 =	simm.s32 $0x8;
	v61 =	vld.idx.msk [tilespmem:v8+s19+$0x0], $0xffff;
	v60 =	vor.u32 v4, v29;
	v0 =	vor.u32 v4, v22;
	v63 =	vor.u32 v4, v32  }
.LBB2_3:
0x8d: {  	v4 =	vld.idx.msk [tilespmem:v52+s19+$0x0], $0xffff  }
0x8e: {  	v18 =	vld [tilespmem:$0x1FFD0]  }
0x8f: {  	v52 =	vmov v24;
	v24 =	vld [tilespmem:$0x1FF80]  }
0x90: {  	v7 =	vld [tilespmem:$0x1FF30]  }
0x91: {  	v8 =	vld [tilespmem:$0x1FF60]  }
0x92: {  	v28 =	vld [tilespmem:$0x1FF40]  }
0x93: {  	v5 =	vmov v50;
	v13 =	vld [tilespmem:$0x1FFF0];
	[tilespmem:v53+s16+$0x0] =	vst.idx.msk $0xffff, v3  }
0x94: {  	v15 =	vld [tilespmem:$0x1FF20];
	[tilespmem:$0x1FED0] =	vst v5  }
0x95: {  	v54 =	vmov v16;
	v16 =	vmov v49;
	v9 =	vld [tilespmem:$0x1FF70];
	[tilespmem:v60+s16+$0x0] =	vst.idx.msk $0xffff, v2  }
0x96: {  	v53 =	vmov v14;
	v14 =	vmov v51;
	[tilespmem:v0+s16+$0x0] =	vst.idx.msk $0xffff, v59;
	v51 =	vld.idx.msk [tilespmem:v55+s19+$0x0], $0xffff;
	v5 =	vadd.f32 v62, v19  }
0x97: {  	v55 =	vld.idx.msk [tilespmem:v56+s19+$0x0], $0xffff;
	v61 =	vadd.f32 v61, v16;
	v3 =	vor.u32 v18, v17;
	v50 =	vor.u32 v24, v42  }
0x98: {  	v1 =	vld.idx.msk [tilespmem:v1+s19+$0x0], $0xffff;
	v49 =	vor.u32 v24, v45;
	v2 =	vor.u32 v7, v20;
	v0 =	vor.u32 v8, v39  }
0x99: {  	v12 =	vld [tilespmem:$0x1FFE0];
	v56 =	vor.u32 v28, v34;
	v20 =	vmov v38;
	[tilespmem:v63+s16+$0x0] =	vst.idx.msk $0xffff, v5;
	v5 =	vor.u32 v15, v22  }
0x9a: {  	v31 =	vmovc v25;
	v62 =	vor.u32 v7, v27;
	v27 =	vor.u32 v13, v27;
	v38 =	vor.u32 v8, v20  }
0x9b: {  	v25 =	vld [tilespmem:$0x1FFA0];
	v6 =	vor.u32 v7, v17;
	v17 =	vmovc v39;
	v4 =	vadd.f32 v4, v26;
	v63 =	vor.u32 v10, v43  }
0x9c: {  	v39 =	vor.u32 v9, v35;
	v48 =	vld.idx.msk [tilespmem:v48+s19+$0x0], $0xffff;
	[tilespmem:v50+s16+$0x0] =	vst.idx.msk $0xffff, v61;
	v61 =	vadd.f32 v55, v54  }
0x9d: {  	v57 =	vor.u32 v18, v23;
	v1 =	vadd.f32 v1, v53;
	[tilespmem:v49+s16+$0x0] =	vst.idx.msk $0xffff, v4;
	v0 =	vld.idx.msk [tilespmem:v0+s19+$0x0], $0xffff  }
0x9e: {  	v59 =	vor.u32 v12, v32;
	v32 =	vor.u32 v15, v32;
	[tilespmem:v5+s16+$0x0] =	vst.idx.msk $0xffff, v61;
	v61 =	vld [tilespmem:$0x1FF50]  }
0x9f: {  	v23 =	vor.u32 v7, v23;
	v4 =	vor.u32 v15, v29;
	[tilespmem:v56+s16+$0x0] =	vst.idx.msk $0xffff, v1;
	v38 =	vld.idx.msk [tilespmem:v38+s19+$0x0], $0xffff  }
0xa0: {  	v60 =	vor.u32 v12, v22;
	v1 =	vor.u32 v15, v34;
	v34 =	vld.idx.msk [tilespmem:v27+s19+$0x0], $0xffff;
	[tilespmem:v63+s16+$0x0] =	vst.idx.msk $0xffff, v58  }
0xa1: {  	v22 =	vmovc v42;
	v42 =	vadd.f32 v51, v21;
	v27 =	vmov v37;
	v30 =	vadd.f32 v48, v19;
	v39 =	vld.idx.msk [tilespmem:v39+s19+$0x0], $0xffff  }
0xa2: {  	v51 =	vor.u32 v25, v35;
	v58 =	vor.u32 v8, v27;
	v5 =	vld.idx.msk [tilespmem:v6+s19+$0x0], $0xffff;
	v6 =	vor.u32 v9, v37  }
0xa3: {  	v29 =	vmov v45;
	v48 =	vor.u32 v8, v35;
	[tilespmem:v32+s16+$0x0] =	vst.idx.msk $0xffff, v30;
	v45 =	vor.u32 v61, v22  }
0xa4: {  	s0 =	smov.u32 s17;
	[tilespmem:v4+s16+$0x0] =	vst.idx.msk $0xffff, v42;
	v37 =	vld.idx.msk [tilespmem:v23+s19+$0x0], $0xffff;
	v42 =	vadd.f32 v38, v26;
	v38 =	vor.u32 v24, v43  }
0xa5: {  	v32 =	vor.u32 v25, v17;
	v23 =	vmovc v35;
	v35 =	vadd.s32 s0, v10;
	v2 =	vld.idx.msk [tilespmem:v2+s19+$0x0], $0xffff;
	v63 =	vadd.f32 v34, v53  }
0xa6: {  	v30 =	vld [tilespmem:$0x1FFB0];
	v4 =	vor.u32 v25, v20;
	v0 =	vadd.f32 v0, v16;
	v34 =	vmovc v33;
	v35 =	vand.u32 $0xF, v35  }
0xa7: {  	s9 =	sadd.s32 $0x1, s0;
	v56 =	vor.u32 v61, v33;
	v39 =	vadd.f32 v39, v40;
	v6 =	vld.idx.msk [tilespmem:v6+s19+$0x0], $0xffff;
	[tilespmem:v1+s16+$0x0] =	vst.idx.msk $0xffff, v63  }
0xa8: {  	s14 =	sadd.s32 $0x2, s0;
	v50 =	vor.u32 v61, v43;
	v61 =	vor.u32 v61, v29;
	[tilespmem:v45+s16+$0x0] =	vst.idx.msk $0xffff, v0;
	v45 =	vadd.s32 s9, v10  }
0xa9: {  	v63 =	vadd.s32 s14, v10;
	[tilespmem:v38+s16+$0x0] =	vst.idx.msk $0xffff, v39;
	v0 =	vadd.f32 v5, v54;
	v1 =	vand.u32 $0xF, v45;
	v45 =	vld.idx.msk [tilespmem:v62+s19+$0x0], $0xffff  }
0xaa: {  	v2 =	vadd.f32 v2, v21;
	v5 =	vmov s9;
	v7 =	vld.idx.msk [tilespmem:v32+s19+$0x0], $0xffff;
	v32 =	vmovc v43;
	v43 =	vor.u32 v24, v34  }
0xab: {  	s20 =	sadd.s32 $0x3, s0;
	v49 =	vor.u32 v30, v22;
	v33 =	vadd.f32 v37, v19;
	v24 =	vld [tilespmem:$0x1FEF0];
	[tilespmem:v60+s16+$0x0] =	vst.idx.msk $0xffff, v0;
	v0 =	vand.u32 $0x30, v5  }
0xac: {  	v15 =	vld [tilespmem:$0x1FF90];
	v39 =	vmov s20;
	[tilespmem:v47+s16+$0x0] =	vst.idx.msk $0xffff, v2;
	v38 =	vor.u32 v0, v1;
	v0 =	vadd.s32 s20, v10  }
0xad: {  	v6 =	vadd.f32 v6, v14;
	v60 =	vld.idx.msk [tilespmem:v48+s19+$0x0], $0xffff;
	[tilespmem:v59+s16+$0x0] =	vst.idx.msk $0xffff, v33;
	v1 =	vand.u32 $0x30, v39;
	v0 =	vand.u32 $0xF, v0  }
0xae: {  	v37 =	vmov s14;
	v41 =	vld.idx.msk [tilespmem:v41+s19+$0x0], $0xffff;
	[tilespmem:v61+s16+$0x0] =	vst.idx.msk $0xffff, v42;
	v39 =	vor.u32 v1, v0;
	v0 =	vadd.f32 v45, v53  }
0xaf: {  	v62 =	vmov s0;
	v5 =	vand.u32 $0xF, v63;
	v33 =	vand.u32 $0x30, v37;
	v3 =	vld.idx.msk [tilespmem:v3+s19+$0x0], $0xffff;
	[tilespmem:v43+s16+$0x0] =	vst.idx.msk $0xffff, v6  }
0xb0: {  	v8 =	vld [tilespmem:$0x1FFC0];
	v1 =	vand.u32 $0x30, v62;
	v63 =	vor.u32 v24, v38;
	[tilespmem:v44+s16+$0x0] =	vst.idx.msk $0xffff, v0;
	v0 =	vadd.f32 v7, v16  }
0xb1: {  	v2 =	vld.idx.msk [tilespmem:v57+s19+$0x0], $0xffff;
	v57 =	vor.u32 v24, v39;
	v37 =	vor.u32 v1, v35;
	v35 =	vor.u32 v33, v5  }
0xb2: {  	v5 =	vor.u32 v24, v35;
	[tilespmem:v49+s16+$0x0] =	vst.idx.msk $0xffff, v0;
	v0 =	vor.u32 v24, v37;
	v24 =	vld [tilespmem:$0x1FF00]  }
0xb3: {  	v4 =	vld.idx.msk [tilespmem:v4+s19+$0x0], $0xffff;
	v47 =	vor.u32 v11, v38  }
0xb4: {  	v7 =	vor.u32 v11, v35;
	v1 =	vld.idx.msk [tilespmem:v36+s19+$0x0], $0xffff  }
0xb5: {  	v48 =	vmov v46;
	v46 =	vmov v19;
	v19 =	vmov v40;
	v61 =	vld.idx.msk [tilespmem:v58+s19+$0x0], $0xffff  }
0xb6: {  	v62 =	vadd.f32 v60, v19;
	v3 =	vadd.f32 v3, v54;
	v54 =	vld.idx.msk [tilespmem:v63+s15+$0x0], $0xffff  }
0xb7: {  	v21 =	vadd.f32 v41, v21;
	v49 =	vld.idx.msk [tilespmem:v57+s15+$0x0], $0xffff  }
0xb8: {  	v2 =	vadd.f32 v2, v46;
	[tilespmem:v50+s16+$0x0] =	vst.idx.msk $0xffff, v62;
	v57 =	vld.idx.msk [tilespmem:v47+s19+$0x0], $0xffff  }
0xb9: {  	[tilespmem:v52+s16+$0x0] =	vst.idx.msk $0xffff, v21;
	v21 =	vor.u32 v30, v29;
	v7 =	vld.idx.msk [tilespmem:v7+s19+$0x0], $0xffff  }
0xba: {  	v45 =	vshll.u32 v38, $0x7;
	v59 =	vor.u32 v11, v39;
	[tilespmem:v24+s16+$0x0] =	vst.idx.msk $0xffff, v2;
	v24 =	vor.u32 v25, v27;
	v25 =	vld [tilespmem:$0x1FED0]  }
0xbb: {  	v55 =	vor.u32 v15, v17;
	v42 =	vshll.u32 v39, $0x7;
	v6 =	vor.u32 v8, v45  }
0xbc: {  	v41 =	vor.u32 v18, v20;
	v4 =	vadd.f32 v4, v26;
	v63 =	vor.u32 v11, v37  }
0xbd: {  	v60 =	vor.u32 v28, v29;
	v46 =	vor.u32 v13, v35;
	v1 =	vadd.f32 v1, v53;
	v53 =	vld.idx.msk [tilespmem:v51+s19+$0x0], $0xffff  }
0xbe: {  	[tilespmem:v21+s16+$0x0] =	vst.idx.msk $0xffff, v4;
	v2 =	vadd.f32 v61, v14;
	v51 =	vld.idx.msk [tilespmem:v0+s15+$0x0], $0xffff;
	v0 =	vor.u32 v15, v20  }
0xbf: {  	v44 =	vor.u32 v12, v34;
	v50 =	vor.u32 v8, v22;
	v58 =	vld.idx.msk [tilespmem:v59+s19+$0x0], $0xffff;
	[tilespmem:v31+s16+$0x0] =	vst.idx.msk $0xffff, v1  }
0xc0: {  	v33 =	vshll.u32 v37, $0x7;
	v36 =	vor.u32 v18, v27;
	v47 =	vor.u32 v12, v29;
	v21 =	vld [tilespmem:$0x1FEE0];
	[tilespmem:v56+s16+$0x0] =	vst.idx.msk $0xffff, v2  }
0xc1: {  	v52 =	vor.u32 v9, v38;
	v18 =	vadd.f32 v57, v54;
	v2 =	vld.idx.msk [tilespmem:v63+s19+$0x0], $0xffff;
	v63 =	vor.u32 v10, v45  }
0xc2: {  	v61 =	vor.u32 v9, v39;
	v40 =	vld.idx.msk [tilespmem:v5+s15+$0x0], $0xffff;
	[tilespmem:v25+s16+$0x0] =	vst.idx.msk $0xffff, v3;
	v3 =	vor.u32 v30, v32  }
0xc3: {  	v9 =	vor.u32 v10, v33;
	v1 =	vor.u32 v8, v32;
	v5 =	vor.u32 v10, v42;
	v4 =	vld.idx.msk [tilespmem:v0+s19+$0x0], $0xffff  }
0xc4: {  	[tilespmem:$0x1FF00] =	vst v1;
	v56 =	vor.u32 v15, v23;
	v12 =	vadd.f32 v53, v19;
	v0 =	vmov v6;
	v1 =	vld.idx.msk [tilespmem:v55+s19+$0x0], $0xffff  }
0xc5: {  	p2 =	slt.u32 s17, $0x3C;
	v43 =	vshll.u32 v35, $0x7;
	v53 =	vor.u32 v30, v34;
	[tilespmem:$0x1FEE0] =	vst v0;
	v25 =	vor.u32 v8, v34;
	v8 =	vld.idx.msk [tilespmem:v24+s19+$0x0], $0xffff  }
.Ltmp2:
0xc6: {  	v0 =	vor.u32 v28, v22;
	v24 =	vmov v21;
	v2 =	vadd.f32 v2, v51;
	[tilespmem:v63+s16+$0x0] =	vst.idx.msk $0xffff, v18;
	(pc) =	sbr.rel @p2 .LBB2_3-.Ltmp2, $4  }
0xc7: {  	v21 =	vmov v26;
	v63 =	vor.u32 v28, v32;
	[tilespmem:v3+s16+$0x0] =	vst.idx.msk $0xffff, v12;
	v3 =	vadd.f32 v58, v49  }
0xc8: {  	v26 =	vmov v54;
	v55 =	vor.u32 v13, v20;
	[tilespmem:v9+s16+$0x0] =	vst.idx.msk $0xffff, v2;
	v2 =	vadd.f32 v4, v21  }
0xc9: {  	v58 =	vadd.f32 v7, v40;
	v59 =	vadd.f32 v1, v16;
	v62 =	vld.idx.msk [tilespmem:v56+s19+$0x0], $0xffff;
	[tilespmem:v5+s16+$0x0] =	vst.idx.msk $0xffff, v3  }
0xca: {  	s17 =	sadd.s32 $0x4, s17;
	v1 =	vor.u32 v15, v27;
	v56 =	vor.u32 v13, v17;
	v3 =	vadd.f32 v8, v14;
	v61 =	vld.idx.msk [tilespmem:v61+s19+$0x0], $0xffff  }
0xcb: {  	v4 =	vor.u32 v10, v43;
	v54 =	vld [tilespmem:$0x1FF70];
	_ =	sdelay $0x4  }
0xcc: {  	v5 =	vor.u32 v54, v35;
	[tilespmem:v4+s16+$0x0] =	vst.idx.msk $0xffff, v58  }
0xcd: {  	v57 =	vld [tilespmem:$0x1FF80];
	_ =	sdelay $0x2  }
0xce: {  	v52 =	vld.idx.msk [tilespmem:v52+s19+$0x0], $0xffff  }
0xcf: {  	v5 =	vld.idx.msk [tilespmem:v5+s19+$0x0], $0xffff  }
0xd0: {  	v7 =	vor.u32 v57, v45  }
0xd1: {  	[tilespmem:v53+s16+$0x0] =	vst.idx.msk $0xffff, v3;
	v8 =	vor.u32 v57, v43  }
0xd2: {  	v28 =	vld [tilespmem:$0x1FF60]  }
0xd3: {  	v18 =	vadd.f32 v52, v26;
	[tilespmem:v60+s16+$0x0] =	vst.idx.msk $0xffff, v2;
	v2 =	vor.u32 v57, v42  }
0xd4: {  	[tilespmem:v0+s16+$0x0] =	vst.idx.msk $0xffff, v59;
	v5 =	vadd.f32 v5, v40  }
0xd5: {  	v31 =	vadd.f32 v62, v19;
	v6 =	vor.u32 v54, v37;
	[tilespmem:v7+s16+$0x0] =	vst.idx.msk $0xffff, v18  }
0xd6: {  	v62 =	vadd.f32 v61, v49;
	v59 =	vld [tilespmem:$0x1FF40];
	[tilespmem:v8+s16+$0x0] =	vst.idx.msk $0xffff, v5  }
0xd7: {  	v3 =	vor.u32 v28, v38;
	[tilespmem:v63+s16+$0x0] =	vst.idx.msk $0xffff, v31  }
0xd8: {  	[tilespmem:v2+s16+$0x0] =	vst.idx.msk $0xffff, v62  }
0xd9: {  	v11 =	vld [tilespmem:$0x1FF50]  }
0xda: {  	v6 =	vld.idx.msk [tilespmem:v6+s19+$0x0], $0xffff  }
0xdb: {  	v1 =	vld.idx.msk [tilespmem:v1+s19+$0x0], $0xffff;
	v9 =	vor.u32 v28, v35  }
0xdc: {  	v30 =	vor.u32 v57, v33;
	v3 =	vld.idx.msk [tilespmem:v3+s19+$0x0], $0xffff  }
0xdd: {  	v4 =	vor.u32 v28, v39;
	v58 =	vor.u32 v59, v34  }
0xde: {  	v18 =	vor.u32 v11, v45  }
0xdf: {  	v6 =	vadd.f32 v6, v51  }
0xe0: {  	v60 =	vor.u32 v28, v37;
	v1 =	vadd.f32 v1, v14;
	v8 =	vld.idx.msk [tilespmem:v9+s19+$0x0], $0xffff  }
0xe1: {  	v15 =	vld [tilespmem:$0x1FFA0];
	[tilespmem:v30+s16+$0x0] =	vst.idx.msk $0xffff, v6;
	v3 =	vadd.f32 v3, v26  }
0xe2: {  	v4 =	vld.idx.msk [tilespmem:v4+s19+$0x0], $0xffff;
	[tilespmem:v58+s16+$0x0] =	vst.idx.msk $0xffff, v1  }
0xe3: {  	v9 =	vor.u32 v11, v43;
	[tilespmem:v18+s16+$0x0] =	vst.idx.msk $0xffff, v3  }
0xe4: {  	v61 =	vor.u32 v11, v42;
	v18 =	vld [tilespmem:$0x1FF20]  }
0xe5: {  	v58 =	vld.idx.msk [tilespmem:v60+s19+$0x0], $0xffff  }
0xe6: {  	v8 =	vadd.f32 v8, v40  }
0xe7: {  	v4 =	vadd.f32 v4, v49;
	v60 =	vld.idx.msk [tilespmem:v56+s19+$0x0], $0xffff  }
0xe8: {  	v31 =	vld.idx.msk [tilespmem:v48+s19+$0x0], $0xffff;
	v5 =	vor.u32 v15, v38;
	v48 =	vor.u32 v11, v33;
	[tilespmem:v9+s16+$0x0] =	vst.idx.msk $0xffff, v8  }
0xe9: {  	v62 =	vor.u32 v15, v39;
	v12 =	vld [tilespmem:$0x1FFF0];
	[tilespmem:v61+s16+$0x0] =	vst.idx.msk $0xffff, v4;
	v63 =	vor.u32 v18, v22  }
0xea: {  	v0 =	vadd.f32 v58, v51;
	v58 =	vld [tilespmem:$0x1FFB0]  }
0xeb: {  	v53 =	vor.u32 v15, v37  }
0xec: {  	v6 =	vor.u32 v15, v35;
	v1 =	vadd.f32 v60, v16  }
0xed: {  	v5 =	vld.idx.msk [tilespmem:v5+s19+$0x0], $0xffff;
	v61 =	vadd.f32 v31, v19;
	[tilespmem:v48+s16+$0x0] =	vst.idx.msk $0xffff, v0  }
0xee: {  	v31 =	vld.idx.msk [tilespmem:v62+s19+$0x0], $0xffff;
	v9 =	vor.u32 v18, v32;
	v8 =	vor.u32 v12, v27;
	[tilespmem:v63+s16+$0x0] =	vst.idx.msk $0xffff, v1  }
0xef: {  	v60 =	vor.u32 v58, v45;
	v13 =	vld [tilespmem:$0x1FF90]  }
0xf0: {  	v62 =	vld.idx.msk [tilespmem:v53+s19+$0x0], $0xffff  }
0xf1: {  	v6 =	vld.idx.msk [tilespmem:v6+s19+$0x0], $0xffff;
	v48 =	vor.u32 v58, v42  }
0xf2: {  	v5 =	vadd.f32 v5, v26;
	v53 =	vor.u32 v58, v33;
	v63 =	vld.idx.msk [tilespmem:v55+s19+$0x0], $0xffff  }
0xf3: {  	v7 =	vor.u32 v18, v29;
	v1 =	vor.u32 v58, v43;
	[tilespmem:v9+s16+$0x0] =	vst.idx.msk $0xffff, v61;
	v8 =	vld.idx.msk [tilespmem:v8+s19+$0x0], $0xffff  }
0xf4: {  	v31 =	vadd.f32 v31, v49;
	[tilespmem:v60+s16+$0x0] =	vst.idx.msk $0xffff, v5;
	v0 =	vor.u32 v13, v38  }
0xf5: {  	v61 =	vor.u32 v18, v34;
	v62 =	vadd.f32 v62, v51;
	v10 =	vld [tilespmem:$0x1FF30];
	v52 =	vor.u32 v13, v35  }
0xf6: {  	v55 =	vadd.f32 v6, v40;
	[tilespmem:v48+s16+$0x0] =	vst.idx.msk $0xffff, v31  }
0xf7: {  	[tilespmem:v53+s16+$0x0] =	vst.idx.msk $0xffff, v62;
	v63 =	vadd.f32 v63, v21;
	v9 =	vor.u32 v13, v39  }
0xf8: {  	[tilespmem:v1+s16+$0x0] =	vst.idx.msk $0xffff, v55;
	v8 =	vadd.f32 v8, v14  }
0xf9: {  	v56 =	vor.u32 v13, v37;
	[tilespmem:v7+s16+$0x0] =	vst.idx.msk $0xffff, v63;
	v0 =	vld.idx.msk [tilespmem:v0+s19+$0x0], $0xffff  }
0xfa: {  	[tilespmem:v61+s16+$0x0] =	vst.idx.msk $0xffff, v8;
	v60 =	vor.u32 v10, v17;
	v4 =	vld.idx.msk [tilespmem:v52+s19+$0x0], $0xffff  }
0xfb: {  	v48 =	vor.u32 v10, v23;
	v30 =	vld [tilespmem:$0x1FFE0];
	v52 =	vor.u32 v59, v45  }
0xfc: {  	v53 =	vor.u32 v12, v38;
	v55 =	vor.u32 v59, v43;
	v9 =	vld.idx.msk [tilespmem:v9+s19+$0x0], $0xffff;
	_ =	sdelay $0x1  }
0xfd: {  	v5 =	vld.idx.msk [tilespmem:v56+s19+$0x0], $0xffff;
	v56 =	vor.u32 v59, v42;
	v0 =	vadd.f32 v0, v26  }
0xfe: {  	v62 =	vor.u32 v12, v37;
	v6 =	vld.idx.msk [tilespmem:v60+s19+$0x0], $0xffff;
	v4 =	vadd.f32 v4, v40  }
0xff: {  	v8 =	vor.u32 v12, v39;
	v60 =	vor.u32 v59, v33;
	v3 =	vld.idx.msk [tilespmem:v48+s19+$0x0], $0xffff;
	[tilespmem:v52+s16+$0x0] =	vst.idx.msk $0xffff, v0  }
0x100: {  	v61 =	vor.u32 v30, v22;
	v9 =	vadd.f32 v9, v49;
	[tilespmem:v55+s16+$0x0] =	vst.idx.msk $0xffff, v4;
	v1 =	vld.idx.msk [tilespmem:v53+s19+$0x0], $0xffff  }
0x101: {  	v63 =	vor.u32 v10, v20;
	v48 =	vor.u32 v30, v32;
	v53 =	vld.idx.msk [tilespmem:v46+s19+$0x0], $0xffff  }
0x102: {  	v31 =	vadd.f32 v5, v51;
	[tilespmem:v56+s16+$0x0] =	vst.idx.msk $0xffff, v9;
	v9 =	vor.u32 v18, v45  }
0x103: {  	v55 =	vor.u32 v10, v27;
	v56 =	vor.u32 v18, v43;
	v52 =	vadd.f32 v6, v16  }
0x104: {  	v2 =	vor.u32 v10, v38;
	v8 =	vld.idx.msk [tilespmem:v8+s19+$0x0], $0xffff;
	[tilespmem:v60+s16+$0x0] =	vst.idx.msk $0xffff, v31;
	v3 =	vadd.f32 v3, v19  }
0x105: {  	v60 =	vld.idx.msk [tilespmem:v62+s19+$0x0], $0xffff;
	v62 =	vor.u32 v10, v35;
	[tilespmem:v61+s16+$0x0] =	vst.idx.msk $0xffff, v52;
	v1 =	vadd.f32 v1, v26  }
0x106: {  	v0 =	vld.idx.msk [tilespmem:v63+s19+$0x0], $0xffff;
	v61 =	vor.u32 v18, v42;
	[tilespmem:v48+s16+$0x0] =	vst.idx.msk $0xffff, v3;
	v48 =	vadd.f32 v53, v40  }
0x107: {  	v63 =	vor.u32 v10, v39;
	v18 =	vor.u32 v18, v33;
	[tilespmem:v9+s16+$0x0] =	vst.idx.msk $0xffff, v1  }
0x108: {  	v46 =	vor.u32 v10, v37;
	v52 =	vld.idx.msk [tilespmem:v55+s19+$0x0], $0xffff;
	[tilespmem:v56+s16+$0x0] =	vst.idx.msk $0xffff, v48  }
0x109: {  	v53 =	vadd.f32 v8, v49;
	v32 =	vld [tilespmem:$0x1FFD0]  }
0x10a: {  	v56 =	vadd.f32 v60, v51;
	v2 =	vld.idx.msk [tilespmem:v2+s19+$0x0], $0xffff  }
0x10b: {  	v0 =	vadd.f32 v0, v21;
	[tilespmem:v61+s16+$0x0] =	vst.idx.msk $0xffff, v53;
	v61 =	vld.idx.msk [tilespmem:v62+s19+$0x0], $0xffff  }
0x10c: {  	v62 =	vor.u32 v30, v45;
	[tilespmem:v18+s16+$0x0] =	vst.idx.msk $0xffff, v56;
	v8 =	vld.idx.msk [tilespmem:v63+s19+$0x0], $0xffff  }
0x10d: {  	v9 =	vor.u32 v30, v43;
	[tilespmem:v47+s16+$0x0] =	vst.idx.msk $0xffff, v0;
	v3 =	vld.idx.msk [tilespmem:v46+s19+$0x0], $0xffff  }
0x10e: {  	v34 =	vor.u32 v30, v42;
	v1 =	vadd.f32 v52, v14;
	v60 =	vor.u32 v32, v17;
	v17 =	vld.idx.msk [tilespmem:v41+s19+$0x0], $0xffff  }
0x10f: {  	v31 =	vor.u32 v32, v35;
	v35 =	vor.u32 v30, v33;
	v2 =	vadd.f32 v2, v26  }
0x110: {  	[tilespmem:v44+s16+$0x0] =	vst.idx.msk $0xffff, v1;
	v7 =	vadd.f32 v61, v40  }
0x111: {  	v45 =	vadd.f32 v8, v49;
	[tilespmem:v62+s16+$0x0] =	vst.idx.msk $0xffff, v2  }
0x112: {  	v55 =	vor.u32 v32, v23;
	[tilespmem:v9+s16+$0x0] =	vst.idx.msk $0xffff, v7;
	v3 =	vadd.f32 v3, v51  }
0x113: {  	[tilespmem:v34+s16+$0x0] =	vst.idx.msk $0xffff, v45;
	v46 =	vadd.f32 v17, v21  }
0x114: {  	v44 =	vld.idx.msk [tilespmem:v36+s19+$0x0], $0xffff;
	[tilespmem:v35+s16+$0x0] =	vst.idx.msk $0xffff, v3  }
0x115: {  	v63 =	vor.u32 v32, v38;
	v38 =	vor.u32 v32, v39;
	v39 =	vld.idx.msk [tilespmem:v60+s19+$0x0], $0xffff;
	[tilespmem:v24+s16+$0x0] =	vst.idx.msk $0xffff, v46  }
0x116: {  	v8 =	vld [tilespmem:$0x1FF00]  }
0x117: {  	v4 =	vld.idx.msk [tilespmem:v55+s19+$0x0], $0xffff;
	_ =	sdelay $0x1  }
0x118: {  	v41 =	vor.u32 v32, v37  }
0x119: {  	v2 =	vadd.f32 v44, v14;
	v60 =	vld [tilespmem:$0x1FFC0]  }
0x11a: {  	v1 =	vadd.f32 v39, v16  }
0x11b: {  	v7 =	vld.idx.msk [tilespmem:v31+s19+$0x0], $0xffff;
	[tilespmem:v25+s16+$0x0] =	vst.idx.msk $0xffff, v2;
	v47 =	vadd.f32 v4, v19  }
0x11c: {  	v48 =	vld.idx.msk [tilespmem:v38+s19+$0x0], $0xffff;
	[tilespmem:v50+s16+$0x0] =	vst.idx.msk $0xffff, v1  }
0x11d: {  	v6 =	vld.idx.msk [tilespmem:v41+s19+$0x0], $0xffff;
	[tilespmem:v8+s16+$0x0] =	vst.idx.msk $0xffff, v47  }
0x11e: {  	v52 =	vor.u32 v60, v43;
	v61 =	vld [tilespmem:$0x1FEE0]  }
0x11f: {  	v0 =	vld.idx.msk [tilespmem:v63+s19+$0x0], $0xffff;
	v53 =	vor.u32 v60, v42  }
0x120: {  	v55 =	vor.u32 v60, v33  }
0x121: {  	v56 =	vadd.f32 v7, v40  }
0x122: {  	s0 =	smul.u32 $0xC0000, s11;
	p2 =	sne.s32 s11, $0x42;
	v62 =	vadd.f32 v48, v49  }
.Ltmp3:
0x123: {  	v63 =	vadd.f32 v6, v51;
	[tilespmem:v52+s16+$0x0] =	vst.idx.msk $0xffff, v56;
	(pc) =	sbr.rel @p2 .LBB2_6-.Ltmp3, $4  }
0x124: {  	s0 =	sadd.s32 s10, s0;
	v0 =	vadd.f32 v0, v26;
	[tilespmem:v53+s16+$0x0] =	vst.idx.msk $0xffff, v62  }
0x125: {  	s0 =	sshrl.u32 s0, $0x3;
	[tilespmem:v55+s16+$0x0] =	vst.idx.msk $0xffff, v63  }
0x126: {  	s17 =	sadd.s32 $0x3, s30;
	s0 =	sadd.s32 s1, s0;
	v10 =	vlaneseq.u32;
	v44 =	vmov v15;
	v14 =	vmov v30;
	[tilespmem:v61+s16+$0x0] =	vst.idx.msk $0xffff, v0  }
0x127: {  	v15 =	vmovc v32;
	v51 =	vmovc v28;
	v47 =	vmov v11;
	v52 =	vmov v54;
	v54 =	vmov v57;
	[hbm4b:s0+s12] =	stream.strided.scatter [tilespmem:s16], [sflag:$0x4], $0x2000, s13, s12, $0x38;
	[tilespmem:$0x1E800] =	vst v63  }
.Ltmp4:
0x128: {  	(pc) =	sbr.rel .LBB2_7-.Ltmp4, $4  }
0x129: {  	_ = 	snop  }
0x12a: {  	_ =	swait.ge [sflag:s23], $0x4000  }
0x12b: {  	[sflag:s23] =	ssyncset.done $0x0  }
0x12c: {  	[sflag:s23] =	ssyncadd.s32 $0xFFFFC000  }
.LBB2_6:
0x12d: {  	s0 =	sshll.u32 s17, $0x7  }
0x12e: {  	s0 =	sand.u32 $0x3FFFFF80, s0  }
0x12f: {  	[tilespmem:s19], [sflag:$0x1] =	stream.indirect.gather [hbm4b:s4+s18], $0x80, s0, s18, $0xb8;
	[tilespmem:$0x1E800] =	vst v63  }
0x130: {  	s14 =	simm.s32 $0x7400;
	s9 =	sor.u32 $0x20, s0  }
0x131: {  	[tilespmem:s14], [sflag:$0x1] =	stream.indirect.gather [hbm4b:s4+s18], $0x80, s9, s18, $0xb8;
	[tilespmem:$0x1E800] =	vst v63  }
0x132: {  	s20 =	sor.u32 $0x40, s0  }
0x133: {  	[tilespmem:s22], [sflag:$0x1] =	stream.indirect.gather [hbm4b:s4+s18], $0x80, s20, s18, $0xb8;
	[tilespmem:$0x1E800] =	vst v63  }
.Ltmp5:
0x134: {  	s0 =	sor.u32 $0x60, s0;
	(pc) =	sbr.rel @p0 .LBB2_8-.Ltmp5, $4  }
0x135: {  	[tilespmem:s24], [sflag:$0x1] =	stream.indirect.gather [hbm4b:s4+s18], $0x80, s0, s18, $0xb8;
	[tilespmem:$0x1E800] =	vst v63  }
0x136: {  	_ =	swait.ge [sflag:s23], $0x4000  }
0x137: {  	[sflag:s23] =	ssyncset.done $0x0  }
0x138: {  	[sflag:s23] =	ssyncadd.s32 $0xFFFFC000  }
.LBB2_7:
0x139: {  	_ =	swait.ge [sflag:s25], $0x2000  }
0x13a: {  	[sflag:s25] =	ssyncset.done $0x0  }
0x13b: {  	[sflag:s25] =	ssyncadd.s32 $0xFFFFE000  }
.LBB2_8:
0x13c: {  	s9 =	simm.s32 $0x3;
	v32 =	vld [tilespmem:$0x1FF10]  }
0x13d: {  	s0 =	sadd.s32 $0x1, s30;
	s14 =	simm.s32 $0x1;
	v0 =	vmov s9;
	v1 =	vadd.s32 s9, v10  }
0x13e: {  	s0 =	sshll.u32 s0, $0x7;
	v2 =	vmov s14;
	v0 =	vand.u32 $0x30, v0;
	v1 =	vand.u32 $0xF, v1  }
0x13f: {  	v3 =	vadd.s32 s14, v10;
	v11 =	vmov s0;
	v17 =	vor.u32 v0, v1  }
0x140: {  	v0 =	vand.u32 $0xF, v3;
	v1 =	vand.u32 $0x30, v2;
	v2 =	vor.u32 v11, v17  }
0x141: {  	v20 =	vor.u32 v1, v0;
	v0 =	vor.u32 v32, v17  }
0x142: {  	v1 =	vor.u32 v11, v20  }
0x143: {  	v3 =	vor.u32 v32, v20  }
0x144: {  	s20 =	simm.s32 $0x0;
	s14 =	simm.s32 $0x2  }
0x145: {  	v6 =	vmov s20;
	v4 =	vadd.s32 s14, v10;
	v16 =	vld.idx.msk [tilespmem:v2+s15+$0x0], $0xffff  }
0x146: {  	v5 =	vmov s14;
	v6 =	vand.u32 $0x30, v6;
	v22 =	vshll.u32 v17, $0x7;
	v0 =	vld.idx.msk [tilespmem:v0+s26+$0x0], $0xffff  }
0x147: {  	v2 =	vadd.s32 s20, v10;
	v21 =	vld.idx.msk [tilespmem:v1+s15+$0x0], $0xffff;
	v1 =	vand.u32 $0xF, v4;
	v4 =	vand.u32 $0x30, v5  }
0x148: {  	v29 =	vshll.u32 v20, $0x7;
	v3 =	vld.idx.msk [tilespmem:v3+s26+$0x0], $0xffff;
	v2 =	vand.u32 $0xF, v2;
	v23 =	vor.u32 v4, v1  }
0x149: {  	v5 =	vor.u32 v10, v22;
	v27 =	vor.u32 v6, v2;
	v2 =	vor.u32 v32, v23  }
0x14a: {  	v7 =	vor.u32 v52, v17;
	v8 =	vor.u32 v10, v29  }
0x14b: {  	v1 =	vor.u32 v52, v20  }
0x14c: {  	v4 =	vor.u32 v11, v23;
	v0 =	vadd.f32 v0, v16  }
0x14d: {  	v3 =	vadd.f32 v3, v21  }
0x14e: {  	[tilespmem:v5+s28+$0x0] =	vst.idx.msk $0xffff, v0;
	v2 =	vld.idx.msk [tilespmem:v2+s26+$0x0], $0xffff  }
0x14f: {  	v6 =	vor.u32 v32, v27;
	[tilespmem:v8+s28+$0x0] =	vst.idx.msk $0xffff, v3;
	v5 =	vld.idx.msk [tilespmem:v7+s26+$0x0], $0xffff  }
0x150: {  	v0 =	vor.u32 v11, v27;
	v1 =	vld.idx.msk [tilespmem:v1+s26+$0x0], $0xffff  }
0x151: {  	v3 =	vor.u32 v54, v22;
	v19 =	vld.idx.msk [tilespmem:v4+s15+$0x0], $0xffff  }
0x152: {  	v31 =	vshll.u32 v23, $0x7;
	v4 =	vor.u32 v54, v29  }
0x153: {  	v53 =	vor.u32 v51, v17;
	v8 =	vor.u32 v10, v31  }
0x154: {  	v6 =	vld.idx.msk [tilespmem:v6+s26+$0x0], $0xffff;
	v5 =	vadd.f32 v5, v16  }
0x155: {  	s0 =	simm.s32 $0x4;
	v18 =	vld.idx.msk [tilespmem:v0+s15+$0x0], $0xffff;
	v0 =	vor.u32 v51, v20;
	v1 =	vadd.f32 v1, v21  }
0x156: {  	s14 =	simm.s32 $0x6;
	v36 =	vadd.s32 s0, v10;
	v34 =	vshll.u32 v27, $0x7;
	v2 =	vadd.f32 v2, v19;
	[tilespmem:v3+s28+$0x0] =	vst.idx.msk $0xffff, v5  }
0x157: {  	v39 =	vadd.s32 s14, v10;
	v3 =	vor.u32 v52, v23;
	[tilespmem:v4+s28+$0x0] =	vst.idx.msk $0xffff, v1;
	v1 =	vor.u32 v10, v34  }
0x158: {  	v25 =	vor.u32 v44, v17;
	[tilespmem:v8+s28+$0x0] =	vst.idx.msk $0xffff, v2;
	v8 =	vor.u32 v52, v27;
	v5 =	vld.idx.msk [tilespmem:v53+s26+$0x0], $0xffff  }
0x159: {  	v57 =	vand.u32 $0xF, v39;
	v9 =	vor.u32 v47, v22;
	v26 =	vor.u32 v44, v20  }
0x15a: {  	v30 =	vor.u32 v58, v22;
	v50 =	vor.u32 v60, v22;
	s20 =	simm.s32 $0x5;
	v0 =	vld.idx.msk [tilespmem:v0+s26+$0x0], $0xffff;
	v4 =	vadd.f32 v6, v18  }
0x15b: {  	v24 =	vor.u32 v60, v29;
	v37 =	vmov s20;
	v38 =	vadd.s32 s20, v10;
	s20 =	simm.s32 $0x7  }
0x15c: {  	v38 =	vand.u32 $0xF, v38;
	v56 =	vadd.s32 s20, v10;
	v48 =	vor.u32 v12, v23;
	v3 =	vld.idx.msk [tilespmem:v3+s26+$0x0], $0xffff;
	[tilespmem:v1+s28+$0x0] =	vst.idx.msk $0xffff, v4  }
0x15d: {  	v55 =	vor.u32 v44, v23;
	v1 =	vor.u32 v47, v29;
	v5 =	vadd.f32 v5, v16;
	v8 =	vld.idx.msk [tilespmem:v8+s26+$0x0], $0xffff  }
0x15e: {  	v35 =	vor.u32 v54, v31;
	v40 =	vor.u32 v54, v34;
	v4 =	vor.u32 v51, v23  }
0x15f: {  	v0 =	vadd.f32 v0, v21;
	[tilespmem:v9+s28+$0x0] =	vst.idx.msk $0xffff, v5;
	v5 =	vand.u32 $0x30, v37;
	v9 =	vmov s20  }
0x160: {  	v38 =	vor.u32 v5, v38;
	v5 =	vand.u32 $0x30, v9;
	v9 =	vand.u32 $0xF, v56  }
0x161: {  	v33 =	vor.u32 v51, v27;
	v3 =	vadd.f32 v3, v19;
	v39 =	vor.u32 v5, v9  }
0x162: {  	v41 =	vld.idx.msk [tilespmem:v25+s26+$0x0], $0xffff;
	v5 =	vmov s14;
	v43 =	vor.u32 v32, v38;
	[tilespmem:v1+s28+$0x0] =	vst.idx.msk $0xffff, v0;
	v8 =	vadd.f32 v8, v18  }
0x163: {  	v45 =	vshll.u32 v38, $0x7;
	v9 =	vor.u32 v11, v39;
	[tilespmem:v35+s28+$0x0] =	vst.idx.msk $0xffff, v3;
	v3 =	vor.u32 v11, v38  }
0x164: {  	v25 =	vmov s0;
	v5 =	vand.u32 $0x30, v5;
	v1 =	vld.idx.msk [tilespmem:v26+s26+$0x0], $0xffff;
	v10 =	vor.u32 v60, v45;
	[tilespmem:v40+s28+$0x0] =	vst.idx.msk $0xffff, v8  }
0x165: {  	v0 =	vand.u32 $0xF, v36;
	v26 =	vand.u32 $0x30, v25;
	v35 =	vor.u32 v5, v57;
	v4 =	vld.idx.msk [tilespmem:v4+s26+$0x0], $0xffff;
	[tilespmem:$0x1FEA0] =	vst v10  }
0x166: {  	v63 =	vor.u32 v44, v27;
	v37 =	vor.u32 v26, v0;
	v61 =	vor.u32 v32, v35;
	v5 =	vld.idx.msk [tilespmem:v33+s26+$0x0], $0xffff  }
0x167: {  	v28 =	vor.u32 v47, v31;
	v44 =	vor.u32 v14, v34;
	v62 =	vor.u32 v11, v37  }
0x168: {  	v2 =	vor.u32 v47, v34;
	v8 =	vor.u32 v32, v39;
	v26 =	vld.idx.msk [tilespmem:v3+s15+$0x0], $0xffff;
	[tilespmem:$0x1FEB0] =	vst v11  }
0x169: {  	v54 =	vor.u32 v13, v20;
	v6 =	vor.u32 v13, v17;
	v0 =	vadd.f32 v41, v16;
	v49 =	vld.idx.msk [tilespmem:v9+s15+$0x0], $0xffff  }
0x16a: {  	v47 =	vor.u32 v14, v29;
	v36 =	vor.u32 v15, v27;
	v4 =	vadd.f32 v4, v19;
	v9 =	vld.idx.msk [tilespmem:v43+s26+$0x0], $0xffff  }
0x16b: {  	[tilespmem:v30+s28+$0x0] =	vst.idx.msk $0xffff, v0;
	v0 =	vor.u32 v32, v37;
	v53 =	vld.idx.msk [tilespmem:v61+s26+$0x0], $0xffff;
	v5 =	vadd.f32 v5, v18  }
0x16c: {  	v57 =	vor.u32 v52, v39;
	v3 =	vor.u32 v11, v35;
	v51 =	vld.idx.msk [tilespmem:v62+s15+$0x0], $0xffff;
	[tilespmem:v28+s28+$0x0] =	vst.idx.msk $0xffff, v4  }
0x16d: {  	v10 =	vlaneseq.u32;
	v4 =	vld.idx.msk [tilespmem:v8+s26+$0x0], $0xffff;
	v8 =	vor.u32 v58, v29;
	[tilespmem:v2+s28+$0x0] =	vst.idx.msk $0xffff, v5;
	v5 =	vor.u32 v60, v31  }
0x16e: {  	v42 =	vshll.u32 v39, $0x7;
	v52 =	vor.u32 v52, v38;
	v32 =	vor.u32 v10, v45;
	v7 =	vld.idx.msk [tilespmem:v55+s26+$0x0], $0xffff;
	[tilespmem:$0x1FEC0] =	vst v5  }
0x16f: {  	v46 =	vor.u32 v12, v35;
	v41 =	vor.u32 v15, v20;
	v33 =	vshll.u32 v37, $0x7;
	v5 =	vld.idx.msk [tilespmem:v6+s26+$0x0], $0xffff  }
0x170: {  	v56 =	vor.u32 v10, v42;
	v1 =	vadd.f32 v1, v21;
	v2 =	vor.u32 v58, v31;
	v0 =	vld.idx.msk [tilespmem:v0+s26+$0x0], $0xffff  }
0x171: {  	v30 =	vor.u32 v60, v34;
	v55 =	vor.u32 v12, v20;
	v9 =	vadd.f32 v9, v26;
	v40 =	vld.idx.msk [tilespmem:v3+s15+$0x0], $0xffff  }
0x172: {  	v3 =	vor.u32 v13, v23;
	v61 =	vld.idx.msk [tilespmem:v63+s26+$0x0], $0xffff;
	[tilespmem:v8+s28+$0x0] =	vst.idx.msk $0xffff, v1;
	v8 =	vor.u32 v10, v33  }
0x173: {  	[tilespmem:v32+s28+$0x0] =	vst.idx.msk $0xffff, v9;
	v32 =	vmov v59;
	v7 =	vadd.f32 v7, v19;
	v54 =	vld.idx.msk [tilespmem:v54+s26+$0x0], $0xffff  }
0x174: {  	v60 =	vor.u32 v59, v29;
	v1 =	vor.u32 v58, v34;
	v63 =	vor.u32 v32, v31  }
0x175: {  	v43 =	vshll.u32 v35, $0x7;
	[tilespmem:v2+s28+$0x0] =	vst.idx.msk $0xffff, v7;
	v2 =	vadd.f32 v4, v49;
	v59 =	vadd.f32 v5, v16  }
0x176: {  	v4 =	vadd.f32 v0, v51;
	v58 =	vadd.f32 v53, v40;
	v0 =	vor.u32 v32, v22  }
0x177: {  	v62 =	vld.idx.msk [tilespmem:v3+s26+$0x0], $0xffff;
	v53 =	vadd.f32 v61, v18;
	[tilespmem:v56+s28+$0x0] =	vst.idx.msk $0xffff, v2;
	v2 =	vor.u32 v13, v27  }
0x178: {  	s30 =	simm.s32 $0x8;
	v56 =	vor.u32 v12, v17;
	[tilespmem:v8+s28+$0x0] =	vst.idx.msk $0xffff, v4;
	v61 =	vld.idx.msk [tilespmem:v57+s26+$0x0], $0xffff;
	v3 =	vadd.f32 v54, v21  }
.LBB2_9:
0x179: {  	v4 =	vld.idx.msk [tilespmem:v52+s26+$0x0], $0xffff  }
0x17a: {  	v15 =	vld [tilespmem:$0x1FFD0]  }
0x17b: {  	v14 =	vmov v30;
	v30 =	vmov v24;
	v24 =	vld [tilespmem:$0x1FF80]  }
0x17c: {  	v25 =	vld [tilespmem:$0x1FF30]  }
0x17d: {  	v32 =	vld [tilespmem:$0x1FFE0]  }
0x17e: {  	v12 =	vld [tilespmem:$0x1FF40];
	[tilespmem:v1+s28+$0x0] =	vst.idx.msk $0xffff, v53  }
0x17f: {  	v11 =	vld [tilespmem:$0x1FFF0];
	[tilespmem:v60+s28+$0x0] =	vst.idx.msk $0xffff, v3  }
0x180: {  	v54 =	vmovc v16;
	v16 =	vmov v49;
	v52 =	vmov v50;
	v13 =	vld [tilespmem:$0x1FF20];
	v53 =	vmov v18;
	[tilespmem:v0+s28+$0x0] =	vst.idx.msk $0xffff, v59  }
0x181: {  	v18 =	vmovc v51;
	v60 =	vor.u32 v10, v43;
	v8 =	vadd.f32 v62, v19;
	v62 =	vld [tilespmem:$0x1FF60];
	v57 =	vor.u32 v15, v23  }
0x182: {  	v2 =	vld.idx.msk [tilespmem:v2+s26+$0x0], $0xffff;
	v1 =	vor.u32 v15, v17;
	v5 =	vor.u32 v24, v45;
	v6 =	vor.u32 v24, v42  }
0x183: {  	v7 =	vld.idx.msk [tilespmem:v55+s26+$0x0], $0xffff;
	v3 =	vor.u32 v25, v20;
	v9 =	vor.u32 v32, v31;
	v50 =	vor.u32 v32, v22  }
0x184: {  	v28 =	vld [tilespmem:$0x1FF70];
	v51 =	vor.u32 v12, v34;
	v59 =	vor.u32 v25, v27;
	v20 =	vmovc v38;
	v38 =	vadd.f32 v61, v16  }
0x185: {  	v49 =	vld.idx.msk [tilespmem:v56+s26+$0x0], $0xffff;
	v27 =	vor.u32 v11, v27;
	v56 =	vor.u32 v13, v22;
	v61 =	vor.u32 v25, v17  }
0x186: {  	v4 =	vadd.f32 v4, v26;
	[tilespmem:v63+s28+$0x0] =	vst.idx.msk $0xffff, v8;
	v63 =	vld [tilespmem:$0x1FFA0];
	v0 =	vor.u32 v62, v39  }
0x187: {  	v48 =	vld.idx.msk [tilespmem:v48+s26+$0x0], $0xffff;
	v2 =	vadd.f32 v2, v53;
	v8 =	vor.u32 v62, v20;
	[tilespmem:v6+s28+$0x0] =	vst.idx.msk $0xffff, v38  }
0x188: {  	v31 =	vor.u32 v13, v31;
	[tilespmem:v5+s28+$0x0] =	vst.idx.msk $0xffff, v4;
	v4 =	vor.u32 v13, v29;
	v29 =	vmov v45;
	v45 =	vld [tilespmem:$0x1FF50]  }
0x189: {  	v6 =	vor.u32 v28, v35;
	[tilespmem:v51+s28+$0x0] =	vst.idx.msk $0xffff, v2;
	v2 =	vor.u32 v13, v34;
	v13 =	vld [tilespmem:$0x1FFB0]  }
0x18a: {  	v17 =	vmov v39;
	v23 =	vor.u32 v25, v23;
	v5 =	vadd.f32 v49, v54;
	v34 =	vld.idx.msk [tilespmem:v27+s26+$0x0], $0xffff  }
0x18b: {  	v7 =	vadd.f32 v7, v21;
	[tilespmem:v60+s28+$0x0] =	vst.idx.msk $0xffff, v58;
	v38 =	vor.u32 v28, v37;
	v0 =	vld.idx.msk [tilespmem:v0+s26+$0x0], $0xffff  }
0x18c: {  	v22 =	vmov v42;
	v51 =	vor.u32 v63, v35;
	v27 =	vmov v37;
	v8 =	vld.idx.msk [tilespmem:v8+s26+$0x0], $0xffff;
	[tilespmem:v56+s28+$0x0] =	vst.idx.msk $0xffff, v5  }
0x18d: {  	v42 =	vadd.f32 v48, v19;
	v58 =	vor.u32 v62, v27;
	v48 =	vor.u32 v62, v35;
	v5 =	vld.idx.msk [tilespmem:v61+s26+$0x0], $0xffff  }
0x18e: {  	v56 =	vor.u32 v45, v33;
	v6 =	vld.idx.msk [tilespmem:v6+s26+$0x0], $0xffff;
	v39 =	vor.u32 v45, v22;
	[tilespmem:v4+s28+$0x0] =	vst.idx.msk $0xffff, v7  }
0x18f: {  	s0 =	smov.u32 s30;
	[tilespmem:v31+s28+$0x0] =	vst.idx.msk $0xffff, v42;
	v31 =	vor.u32 v63, v17;
	v4 =	vor.u32 v63, v20;
	v3 =	vld.idx.msk [tilespmem:v3+s26+$0x0], $0xffff  }
0x190: {  	s9 =	sadd.s32 $0x1, s0;
	v7 =	vor.u32 v45, v43;
	v42 =	vor.u32 v24, v43;
	v37 =	vld.idx.msk [tilespmem:v23+s26+$0x0], $0xffff;
	v60 =	vadd.f32 v34, v53  }
0x191: {  	v49 =	vor.u32 v13, v22;
	v61 =	vld.idx.msk [tilespmem:v38+s26+$0x0], $0xffff;
	v38 =	vadd.s32 s9, v10;
	v0 =	vadd.f32 v0, v16  }
0x192: {  	s14 =	sadd.s32 $0x2, s0;
	v25 =	vld [tilespmem:$0x1FF90];
	v45 =	vor.u32 v45, v29;
	v23 =	vmovc v35;
	v35 =	vadd.s32 s0, v10;
	[tilespmem:v2+s28+$0x0] =	vst.idx.msk $0xffff, v60;
	v2 =	vand.u32 $0xF, v38  }
0x193: {  	v60 =	vmov s14;
	v8 =	vadd.f32 v8, v26;
	v59 =	vld.idx.msk [tilespmem:v59+s26+$0x0], $0xffff;
	v6 =	vadd.f32 v6, v40;
	[tilespmem:v39+s28+$0x0] =	vst.idx.msk $0xffff, v0  }
0x194: {  	v34 =	vmovc v33;
	v0 =	vadd.f32 v5, v54;
	v39 =	vadd.s32 s14, v10;
	v3 =	vadd.f32 v3, v21;
	v62 =	vld.idx.msk [tilespmem:v31+s26+$0x0], $0xffff  }
0x195: {  	s20 =	sadd.s32 $0x3, s0;
	v5 =	vmov s9;
	v31 =	vmovc v43;
	v43 =	vor.u32 v24, v34;
	[tilespmem:v42+s28+$0x0] =	vst.idx.msk $0xffff, v6;
	v6 =	vadd.f32 v37, v19;
	v24 =	vld [tilespmem:$0x1FEB0]  }
0x196: {  	v42 =	vmov s20;
	[tilespmem:v50+s28+$0x0] =	vst.idx.msk $0xffff, v0;
	v0 =	vand.u32 $0x30, v5;
	v5 =	vand.u32 $0xF, v39;
	v50 =	vld.idx.msk [tilespmem:v48+s26+$0x0], $0xffff  }
0x197: {  	[tilespmem:v47+s28+$0x0] =	vst.idx.msk $0xffff, v3;
	v1 =	vld.idx.msk [tilespmem:v1+s26+$0x0], $0xffff;
	v38 =	vor.u32 v0, v2;
	v0 =	vadd.s32 s20, v10;
	v2 =	vand.u32 $0x30, v42  }
0x198: {  	[tilespmem:v9+s28+$0x0] =	vst.idx.msk $0xffff, v6;
	v6 =	vand.u32 $0x30, v60;
	v9 =	vadd.f32 v61, v18;
	v60 =	vld [tilespmem:$0x1FF10];
	v0 =	vand.u32 $0xF, v0  }
0x199: {  	v41 =	vld.idx.msk [tilespmem:v41+s26+$0x0], $0xffff;
	[tilespmem:v45+s28+$0x0] =	vst.idx.msk $0xffff, v8;
	v39 =	vor.u32 v2, v0;
	v0 =	vadd.f32 v59, v53  }
0x19a: {  	v35 =	vand.u32 $0xF, v35;
	v48 =	vmovc v46;
	v46 =	vmovc v19;
	v19 =	vmov v40;
	v3 =	vld.idx.msk [tilespmem:v57+s26+$0x0], $0xffff;
	v57 =	vmov s0;
	[tilespmem:v43+s28+$0x0] =	vst.idx.msk $0xffff, v9  }
0x19b: {  	v2 =	vand.u32 $0x30, v57;
	v40 =	vor.u32 v24, v38;
	[tilespmem:v44+s28+$0x0] =	vst.idx.msk $0xffff, v0;
	v0 =	vadd.f32 v62, v16  }
0x19c: {  	v4 =	vld.idx.msk [tilespmem:v4+s26+$0x0], $0xffff;
	v8 =	vor.u32 v24, v39;
	v37 =	vor.u32 v2, v35;
	v35 =	vor.u32 v6, v5  }
0x19d: {  	v5 =	vor.u32 v24, v35;
	[tilespmem:v49+s28+$0x0] =	vst.idx.msk $0xffff, v0;
	v0 =	vor.u32 v24, v37;
	v24 =	vld [tilespmem:$0x1FEC0]  }
0x19e: {  	v59 =	vld [tilespmem:$0x1FFC0];
	v47 =	vor.u32 v60, v38  }
0x19f: {  	v55 =	vor.u32 v25, v17;
	v45 =	vshll.u32 v38, $0x7;
	v57 =	vor.u32 v60, v39;
	v2 =	vld.idx.msk [tilespmem:v36+s26+$0x0], $0xffff  }
0x1a0: {  	v62 =	vadd.f32 v50, v19;
	v44 =	vor.u32 v32, v34;
	v6 =	vor.u32 v60, v35;
	v61 =	vld.idx.msk [tilespmem:v58+s26+$0x0], $0xffff  }
0x1a1: {  	v1 =	vadd.f32 v1, v54;
	v58 =	vor.u32 v60, v37;
	v36 =	vor.u32 v15, v27;
	v54 =	vld.idx.msk [tilespmem:v40+s15+$0x0], $0xffff  }
0x1a2: {  	v60 =	vor.u32 v12, v29;
	v4 =	vadd.f32 v4, v26;
	v49 =	vld.idx.msk [tilespmem:v8+s15+$0x0], $0xffff;
	v8 =	vadd.f32 v41, v21  }
0x1a3: {  	[tilespmem:v7+s28+$0x0] =	vst.idx.msk $0xffff, v62;
	v3 =	vadd.f32 v3, v46;
	v46 =	vor.u32 v11, v35;
	v21 =	vld.idx.msk [tilespmem:v47+s26+$0x0], $0xffff  }
0x1a4: {  	v9 =	vor.u32 v59, v45;
	v50 =	vor.u32 v59, v22;
	v7 =	vld.idx.msk [tilespmem:v57+s26+$0x0], $0xffff;
	[tilespmem:v30+s28+$0x0] =	vst.idx.msk $0xffff, v8  }
0x1a5: {  	v41 =	vor.u32 v15, v20;
	v6 =	vld.idx.msk [tilespmem:v6+s26+$0x0], $0xffff;
	v8 =	vor.u32 v13, v29;
	[tilespmem:v24+s28+$0x0] =	vst.idx.msk $0xffff, v3  }
0x1a6: {  	v2 =	vadd.f32 v2, v53;
	[tilespmem:v52+s28+$0x0] =	vst.idx.msk $0xffff, v1;
	v1 =	vor.u32 v59, v31;
	v53 =	vld.idx.msk [tilespmem:v51+s26+$0x0], $0xffff  }
0x1a7: {  	v42 =	vshll.u32 v39, $0x7;
	v30 =	vor.u32 v59, v34;
	[tilespmem:$0x1FEC0] =	vst v1;
	v24 =	vor.u32 v63, v27;
	v51 =	vld.idx.msk [tilespmem:v0+s15+$0x0], $0xffff  }
0x1a8: {  	v3 =	vadd.f32 v61, v18;
	v0 =	vor.u32 v25, v20;
	v40 =	vld.idx.msk [tilespmem:v5+s15+$0x0], $0xffff;
	v5 =	vor.u32 v10, v42  }
0x1a9: {  	v33 =	vshll.u32 v37, $0x7;
	v47 =	vor.u32 v32, v29;
	v57 =	vor.u32 v28, v39;
	v32 =	vld [tilespmem:$0x1FEA0];
	[tilespmem:v14+s28+$0x0] =	vst.idx.msk $0xffff, v2  }
0x1aa: {  	v52 =	vor.u32 v28, v38;
	v2 =	vld.idx.msk [tilespmem:v55+s26+$0x0], $0xffff;
	[tilespmem:v56+s28+$0x0] =	vst.idx.msk $0xffff, v3;
	v56 =	vor.u32 v13, v31  }
0x1ab: {  	v1 =	vor.u32 v13, v34;
	v61 =	vor.u32 v10, v45;
	v7 =	vadd.f32 v7, v49;
	v3 =	vld.idx.msk [tilespmem:v58+s26+$0x0], $0xffff  }
0x1ac: {  	[tilespmem:v8+s28+$0x0] =	vst.idx.msk $0xffff, v4;
	v8 =	vor.u32 v10, v33;
	v58 =	vor.u32 v25, v23;
	v63 =	vld.idx.msk [tilespmem:v24+s26+$0x0], $0xffff  }
0x1ad: {  	p2 =	slt.u32 s30, $0x3C;
	v4 =	vld.idx.msk [tilespmem:v0+s26+$0x0], $0xffff;
	v59 =	vadd.f32 v53, v19;
	v0 =	vmov v9;
	[tilespmem:v5+s28+$0x0] =	vst.idx.msk $0xffff, v7  }
.Ltmp6:
0x1ae: {  	v43 =	vshll.u32 v35, $0x7;
	v55 =	vor.u32 v11, v20;
	v24 =	vmovc v32;
	v53 =	vadd.f32 v21, v54;
	[tilespmem:$0x1FEA0] =	vst v0;
	(pc) =	sbr.rel @p2 .LBB2_9-.Ltmp6, $4  }
0x1af: {  	v21 =	vmov v26;
	v0 =	vor.u32 v12, v22;
	[tilespmem:v56+s28+$0x0] =	vst.idx.msk $0xffff, v59;
	v59 =	vadd.f32 v2, v16  }
0x1b0: {  	v26 =	vmov v54;
	v3 =	vadd.f32 v3, v51;
	v2 =	vor.u32 v25, v27;
	[tilespmem:v61+s28+$0x0] =	vst.idx.msk $0xffff, v53  }
0x1b1: {  	v56 =	vor.u32 v11, v17;
	v62 =	vld.idx.msk [tilespmem:v58+s26+$0x0], $0xffff;
	v58 =	vadd.f32 v6, v40;
	v53 =	vadd.f32 v63, v18  }
0x1b2: {  	s30 =	sadd.s32 $0x4, s30;
	v61 =	vld.idx.msk [tilespmem:v57+s26+$0x0], $0xffff;
	[tilespmem:v8+s28+$0x0] =	vst.idx.msk $0xffff, v3;
	v63 =	vor.u32 v12, v31;
	v3 =	vadd.f32 v4, v21  }
0x1b3: {  	v4 =	vor.u32 v10, v43;
	v54 =	vld [tilespmem:$0x1FF70];
	_ =	sdelay $0x4  }
0x1b4: {  	v5 =	vor.u32 v54, v35;
	[tilespmem:v4+s28+$0x0] =	vst.idx.msk $0xffff, v58  }
0x1b5: {  	v28 =	vld [tilespmem:$0x1FF80];
	_ =	sdelay $0x2  }
0x1b6: {  	v58 =	vld.idx.msk [tilespmem:v52+s26+$0x0], $0xffff  }
0x1b7: {  	v5 =	vld.idx.msk [tilespmem:v5+s26+$0x0], $0xffff  }
0x1b8: {  	v7 =	vor.u32 v28, v45  }
0x1b9: {  	[tilespmem:v1+s28+$0x0] =	vst.idx.msk $0xffff, v53;
	v8 =	vor.u32 v28, v43  }
0x1ba: {  	v32 =	vadd.f32 v62, v19;
	v11 =	vld [tilespmem:$0x1FF60]  }
0x1bb: {  	[tilespmem:v60+s28+$0x0] =	vst.idx.msk $0xffff, v3;
	v62 =	vadd.f32 v58, v26;
	v3 =	vor.u32 v28, v42  }
0x1bc: {  	[tilespmem:v0+s28+$0x0] =	vst.idx.msk $0xffff, v59;
	v5 =	vadd.f32 v5, v40  }
0x1bd: {  	v6 =	vor.u32 v54, v37;
	[tilespmem:v7+s28+$0x0] =	vst.idx.msk $0xffff, v62  }
0x1be: {  	v61 =	vadd.f32 v61, v49;
	v59 =	vld [tilespmem:$0x1FF40];
	[tilespmem:v8+s28+$0x0] =	vst.idx.msk $0xffff, v5  }
0x1bf: {  	v1 =	vor.u32 v11, v38;
	[tilespmem:v63+s28+$0x0] =	vst.idx.msk $0xffff, v32  }
0x1c0: {  	v2 =	vld.idx.msk [tilespmem:v2+s26+$0x0], $0xffff;
	[tilespmem:v3+s28+$0x0] =	vst.idx.msk $0xffff, v61  }
0x1c1: {  	v9 =	vor.u32 v11, v35;
	v10 =	vld [tilespmem:$0x1FF50]  }
0x1c2: {  	v6 =	vld.idx.msk [tilespmem:v6+s26+$0x0], $0xffff  }
0x1c3: {  	v4 =	vor.u32 v11, v39;
	v57 =	vld [tilespmem:$0x1FFA0]  }
0x1c4: {  	v25 =	vor.u32 v28, v33;
	v1 =	vld.idx.msk [tilespmem:v1+s26+$0x0], $0xffff  }
0x1c5: {  	v53 =	vor.u32 v59, v34  }
0x1c6: {  	v60 =	vor.u32 v11, v37;
	v8 =	vld.idx.msk [tilespmem:v9+s26+$0x0], $0xffff;
	v62 =	vor.u32 v10, v45  }
0x1c7: {  	v6 =	vadd.f32 v6, v51  }
0x1c8: {  	v2 =	vadd.f32 v2, v18;
	v4 =	vld.idx.msk [tilespmem:v4+s26+$0x0], $0xffff;
	v63 =	vor.u32 v57, v38;
	v9 =	vor.u32 v10, v43  }
0x1c9: {  	[tilespmem:v25+s28+$0x0] =	vst.idx.msk $0xffff, v6;
	v1 =	vadd.f32 v1, v26  }
0x1ca: {  	v58 =	vld.idx.msk [tilespmem:v56+s26+$0x0], $0xffff;
	v25 =	vor.u32 v10, v42;
	[tilespmem:v53+s28+$0x0] =	vst.idx.msk $0xffff, v2  }
0x1cb: {  	v0 =	vld.idx.msk [tilespmem:v60+s26+$0x0], $0xffff;
	v8 =	vadd.f32 v8, v40;
	[tilespmem:v62+s28+$0x0] =	vst.idx.msk $0xffff, v1  }
0x1cc: {  	v12 =	vld [tilespmem:$0x1FF20]  }
0x1cd: {  	v4 =	vadd.f32 v4, v49;
	v5 =	vld.idx.msk [tilespmem:v63+s26+$0x0], $0xffff;
	[tilespmem:v9+s28+$0x0] =	vst.idx.msk $0xffff, v8  }
0x1ce: {  	v63 =	vld [tilespmem:$0x1FFF0]  }
0x1cf: {  	v32 =	vld.idx.msk [tilespmem:v48+s26+$0x0], $0xffff;
	v52 =	vor.u32 v57, v39;
	[tilespmem:v25+s28+$0x0] =	vst.idx.msk $0xffff, v4  }
0x1d0: {  	v6 =	vor.u32 v57, v35;
	v48 =	vor.u32 v10, v33;
	v2 =	vadd.f32 v58, v16;
	v58 =	vld [tilespmem:$0x1FFB0]  }
0x1d1: {  	v53 =	vor.u32 v57, v37;
	v1 =	vor.u32 v12, v22;
	_ =	sdelay $0x1  }
0x1d2: {  	v56 =	vld.idx.msk [tilespmem:v55+s26+$0x0], $0xffff;
	v0 =	vadd.f32 v0, v51;
	v8 =	vor.u32 v63, v27  }
0x1d3: {  	v9 =	vor.u32 v12, v31;
	v7 =	vor.u32 v12, v29;
	v29 =	vadd.f32 v32, v19;
	v32 =	vld.idx.msk [tilespmem:v52+s26+$0x0], $0xffff  }
0x1d4: {  	v6 =	vld.idx.msk [tilespmem:v6+s26+$0x0], $0xffff;
	[tilespmem:v48+s28+$0x0] =	vst.idx.msk $0xffff, v0;
	v25 =	vor.u32 v58, v45  }
0x1d5: {  	v60 =	vor.u32 v58, v42;
	[tilespmem:v1+s28+$0x0] =	vst.idx.msk $0xffff, v2;
	v2 =	vld.idx.msk [tilespmem:v53+s26+$0x0], $0xffff  }
0x1d6: {  	v62 =	vld [tilespmem:$0x1FF90]  }
0x1d7: {  	v5 =	vadd.f32 v5, v26;
	v1 =	vor.u32 v58, v43;
	v8 =	vld.idx.msk [tilespmem:v8+s26+$0x0], $0xffff  }
0x1d8: {  	v32 =	vadd.f32 v32, v49;
	[tilespmem:v9+s28+$0x0] =	vst.idx.msk $0xffff, v29;
	v29 =	vor.u32 v58, v33  }
0x1d9: {  	v56 =	vadd.f32 v56, v21;
	v53 =	vor.u32 v12, v34;
	[tilespmem:v25+s28+$0x0] =	vst.idx.msk $0xffff, v5  }
0x1da: {  	v25 =	vadd.f32 v6, v40;
	v15 =	vld [tilespmem:$0x1FF30];
	[tilespmem:v60+s28+$0x0] =	vst.idx.msk $0xffff, v32  }
0x1db: {  	[tilespmem:v7+s28+$0x0] =	vst.idx.msk $0xffff, v56;
	v55 =	vadd.f32 v2, v51;
	v0 =	vor.u32 v62, v38  }
0x1dc: {  	[tilespmem:v1+s28+$0x0] =	vst.idx.msk $0xffff, v25;
	v61 =	vor.u32 v62, v35;
	v8 =	vadd.f32 v8, v18  }
0x1dd: {  	[tilespmem:v29+s28+$0x0] =	vst.idx.msk $0xffff, v55  }
0x1de: {  	v9 =	vor.u32 v62, v39;
	[tilespmem:v53+s28+$0x0] =	vst.idx.msk $0xffff, v8  }
0x1df: {  	v6 =	vor.u32 v15, v17;
	v13 =	vld [tilespmem:$0x1FFE0]  }
0x1e0: {  	v5 =	vor.u32 v62, v37;
	v0 =	vld.idx.msk [tilespmem:v0+s26+$0x0], $0xffff  }
0x1e1: {  	v4 =	vld.idx.msk [tilespmem:v61+s26+$0x0], $0xffff  }
0x1e2: {  	v60 =	vor.u32 v15, v23;
	v61 =	vor.u32 v59, v45  }
0x1e3: {  	v48 =	vor.u32 v59, v43;
	v25 =	vor.u32 v63, v38;
	v9 =	vld.idx.msk [tilespmem:v9+s26+$0x0], $0xffff  }
0x1e4: {  	v6 =	vld.idx.msk [tilespmem:v6+s26+$0x0], $0xffff  }
0x1e5: {  	v52 =	vor.u32 v59, v42;
	v5 =	vld.idx.msk [tilespmem:v5+s26+$0x0], $0xffff;
	v0 =	vadd.f32 v0, v26  }
0x1e6: {  	v56 =	vor.u32 v15, v20;
	v53 =	vor.u32 v13, v22;
	v4 =	vadd.f32 v4, v40  }
0x1e7: {  	v29 =	vor.u32 v59, v33;
	v8 =	vor.u32 v63, v39;
	v3 =	vld.idx.msk [tilespmem:v60+s26+$0x0], $0xffff;
	[tilespmem:v61+s28+$0x0] =	vst.idx.msk $0xffff, v0  }
0x1e8: {  	v55 =	vor.u32 v63, v37;
	v9 =	vadd.f32 v9, v49;
	[tilespmem:v48+s28+$0x0] =	vst.idx.msk $0xffff, v4;
	v1 =	vld.idx.msk [tilespmem:v25+s26+$0x0], $0xffff  }
0x1e9: {  	v61 =	vor.u32 v13, v31;
	v32 =	vadd.f32 v6, v16;
	v46 =	vld.idx.msk [tilespmem:v46+s26+$0x0], $0xffff  }
0x1ea: {  	v60 =	vadd.f32 v5, v51;
	[tilespmem:v52+s28+$0x0] =	vst.idx.msk $0xffff, v9;
	v9 =	vor.u32 v12, v45  }
0x1eb: {  	v48 =	vor.u32 v15, v27;
	v0 =	vld.idx.msk [tilespmem:v56+s26+$0x0], $0xffff;
	[tilespmem:v53+s28+$0x0] =	vst.idx.msk $0xffff, v32;
	v53 =	vor.u32 v12, v43  }
0x1ec: {  	[tilespmem:v29+s28+$0x0] =	vst.idx.msk $0xffff, v60;
	v3 =	vadd.f32 v3, v19;
	v8 =	vld.idx.msk [tilespmem:v8+s26+$0x0], $0xffff  }
0x1ed: {  	v52 =	vor.u32 v15, v38;
	v56 =	vor.u32 v12, v42;
	v55 =	vld.idx.msk [tilespmem:v55+s26+$0x0], $0xffff;
	v1 =	vadd.f32 v1, v26  }
0x1ee: {  	v60 =	vor.u32 v15, v35;
	[tilespmem:v61+s28+$0x0] =	vst.idx.msk $0xffff, v3;
	v25 =	vadd.f32 v46, v40  }
0x1ef: {  	v29 =	vor.u32 v15, v39;
	v31 =	vor.u32 v12, v33;
	[tilespmem:v9+s28+$0x0] =	vst.idx.msk $0xffff, v1  }
0x1f0: {  	v61 =	vor.u32 v15, v37;
	v32 =	vld.idx.msk [tilespmem:v48+s26+$0x0], $0xffff;
	[tilespmem:v53+s28+$0x0] =	vst.idx.msk $0xffff, v25  }
0x1f1: {  	v34 =	vadd.f32 v8, v49;
	v15 =	vld [tilespmem:$0x1FFD0]  }
0x1f2: {  	v48 =	vadd.f32 v55, v51;
	v2 =	vld.idx.msk [tilespmem:v52+s26+$0x0], $0xffff  }
0x1f3: {  	v0 =	vadd.f32 v0, v21;
	[tilespmem:v56+s28+$0x0] =	vst.idx.msk $0xffff, v34;
	v53 =	vld.idx.msk [tilespmem:v60+s26+$0x0], $0xffff  }
0x1f4: {  	v55 =	vor.u32 v13, v45;
	[tilespmem:v31+s28+$0x0] =	vst.idx.msk $0xffff, v48;
	v8 =	vld.idx.msk [tilespmem:v29+s26+$0x0], $0xffff  }
0x1f5: {  	v9 =	vor.u32 v13, v43;
	[tilespmem:v47+s28+$0x0] =	vst.idx.msk $0xffff, v0;
	v3 =	vld.idx.msk [tilespmem:v61+s26+$0x0], $0xffff  }
0x1f6: {  	v1 =	vadd.f32 v32, v18;
	v61 =	vor.u32 v13, v42;
	v52 =	vor.u32 v15, v17;
	v17 =	vld.idx.msk [tilespmem:v41+s26+$0x0], $0xffff  }
0x1f7: {  	v32 =	vor.u32 v13, v33;
	v2 =	vadd.f32 v2, v26  }
0x1f8: {  	[tilespmem:v44+s28+$0x0] =	vst.idx.msk $0xffff, v1;
	v7 =	vadd.f32 v53, v40  }
0x1f9: {  	v41 =	vadd.f32 v8, v49;
	[tilespmem:v55+s28+$0x0] =	vst.idx.msk $0xffff, v2  }
0x1fa: {  	v46 =	vor.u32 v15, v23;
	v3 =	vadd.f32 v3, v51;
	[tilespmem:v9+s28+$0x0] =	vst.idx.msk $0xffff, v7  }
0x1fb: {  	[tilespmem:v61+s28+$0x0] =	vst.idx.msk $0xffff, v41;
	v44 =	vadd.f32 v17, v21  }
0x1fc: {  	v60 =	vor.u32 v15, v35;
	v34 =	vor.u32 v15, v39;
	v39 =	vld.idx.msk [tilespmem:v36+s26+$0x0], $0xffff;
	[tilespmem:v32+s28+$0x0] =	vst.idx.msk $0xffff, v3  }
0x1fd: {  	v35 =	vld.idx.msk [tilespmem:v52+s26+$0x0], $0xffff;
	[tilespmem:v24+s28+$0x0] =	vst.idx.msk $0xffff, v44  }
0x1fe: {  	v8 =	vld [tilespmem:$0x1FEC0]  }
0x1ff: {  	v4 =	vld.idx.msk [tilespmem:v46+s26+$0x0], $0xffff;
	_ =	sdelay $0x1  }
0x200: {  	v56 =	vor.u32 v15, v38;
	v38 =	vor.u32 v15, v37;
	v7 =	vld.idx.msk [tilespmem:v60+s26+$0x0], $0xffff  }
0x201: {  	v2 =	vadd.f32 v39, v18;
	v60 =	vld [tilespmem:$0x1FFC0]  }
0x202: {  	v1 =	vadd.f32 v35, v16  }
0x203: {  	[tilespmem:v30+s28+$0x0] =	vst.idx.msk $0xffff, v2;
	v45 =	vadd.f32 v4, v19  }
0x204: {  	v46 =	vld.idx.msk [tilespmem:v34+s26+$0x0], $0xffff;
	[tilespmem:v50+s28+$0x0] =	vst.idx.msk $0xffff, v1  }
0x205: {  	v6 =	vld.idx.msk [tilespmem:v38+s26+$0x0], $0xffff;
	[tilespmem:v8+s28+$0x0] =	vst.idx.msk $0xffff, v45  }
0x206: {  	v47 =	vor.u32 v60, v43;
	v55 =	vld [tilespmem:$0x1FEA0]  }
0x207: {  	v0 =	vld.idx.msk [tilespmem:v56+s26+$0x0], $0xffff;
	v48 =	vor.u32 v60, v42  }
0x208: {  	v52 =	vor.u32 v60, v33  }
0x209: {  	v53 =	vadd.f32 v7, v40  }
0x20a: {  	v56 =	vadd.f32 v46, v49  }
.Ltmp7:
0x20b: {  	s0 =	sshll.u32 s3, $0x12;
	v61 =	vadd.f32 v6, v51;
	[tilespmem:v47+s28+$0x0] =	vst.idx.msk $0xffff, v53;
	(pc) =	sbr.rel @p1 .LBB2_14-.Ltmp7, $4  }
0x20c: {  	s0 =	sor.u32 s5, s0;
	v0 =	vadd.f32 v0, v26;
	[tilespmem:v48+s28+$0x0] =	vst.idx.msk $0xffff, v56  }
0x20d: {  	s0 =	sshrl.u32 s0, $0x3;
	[tilespmem:v52+s28+$0x0] =	vst.idx.msk $0xffff, v61  }
0x20e: {  	s0 =	sadd.s32 s1, s0;
	[tilespmem:v55+s28+$0x0] =	vst.idx.msk $0xffff, v0  }
0x20f: {  	v31 =	vmovc v13;
	v44 =	vmov v11;
	v51 =	vmov v28;
	v47 =	vlaneseq.u32;
	[hbm4b:s0+s12] =	stream.strided.scatter [tilespmem:s28], [sflag:$0x5], $0x2000, s13, s12, $0x38;
	[tilespmem:$0x1E800] =	vst v63  }
0x210: {  	s0 =	smul.u32 $0x600, s11;
	_ =	sdelay $0x1  }
0x211: {  	s0 =	sshra.s32 s0, $0x2  }
0x212: {  	s9 =	sadd.s32 $0x200, s0  }
0x213: {  	[tilespmem:s26], [sflag:$0x2] =	stream.indirect.gather [hbm4b:s4+s18], $0x80, s9, s18, $0xb8;
	[tilespmem:$0x1E800] =	vst v63  }
0x214: {  	s20 =	sadd.s32 $0x220, s0  }
0x215: {  	[tilespmem:s29], [sflag:$0x2] =	stream.indirect.gather [hbm4b:s4+s18], $0x80, s20, s18, $0xb8;
	[tilespmem:$0x1E800] =	vst v63  }
0x216: {  	s30 =	sadd.s32 $0x240, s0  }
0x217: {  	[tilespmem:s31], [sflag:$0x2] =	stream.indirect.gather [hbm4b:s4+s18], $0x80, s30, s18, $0xb8;
	[tilespmem:$0x1E800] =	vst v63  }
0x218: {  	s14 =	simm.s32 $0x3;
	s0 =	sadd.s32 $0x260, s0  }
0x219: {  	[tilespmem:s2], [sflag:$0x2] =	stream.indirect.gather [hbm4b:s4+s18], $0x80, s0, s18, $0xb8;
	[tilespmem:$0x1E800] =	vst v63  }
0x21a: {  	s3 =	sshll.u32 s3, $0x7;
	v0 =	vmov s14;
	_ =	swait.ge [sflag:s6], $0x4000  }
0x21b: {  	v1 =	vadd.s32 s14, v47;
	v14 =	vmov s3;
	v0 =	vand.u32 $0x30, v0;
	s20 =	simm.s32 $0x1;
	v11 =	vld [tilespmem:$0x1FF10]  }
0x21c: {  	v1 =	vand.u32 $0xF, v1;
	v2 =	vmov s20;
	v3 =	vadd.s32 s20, v47  }
0x21d: {  	v17 =	vor.u32 v0, v1;
	v0 =	vand.u32 $0xF, v3;
	v1 =	vand.u32 $0x30, v2  }
0x21e: {  	v2 =	vor.u32 v14, v17;
	v20 =	vor.u32 v1, v0;
	[sflag:s6] =	ssyncset.done $0x0  }
0x21f: {  	s0 =	simm.s32 @!p0 $0x6;
	v1 =	vor.u32 v14, v20;
	[sflag:s6] =	ssyncadd.s32 $0xFFFFC000  }
0x220: {  	_ =	swait.ge @!p0 [sflag:s0], $0x2000;
	v0 =	vor.u32 v11, v17  }
0x221: {  	[sflag:s0] =	ssyncset.done @!p0 $0x0;
	v3 =	vor.u32 v11, v20  }
0x222: {  	s9 =	simm.s32 $0x2;
	[sflag:s0] =	ssyncadd.s32 @!p0 $0xFFFFE000  }
0x223: {  	v22 =	vshll.u32 v17, $0x7;
	v4 =	vadd.s32 s9, v47;
	s30 =	simm.s32 $0x0;
	v16 =	vld.idx.msk [tilespmem:v2+s15+$0x0], $0xffff  }
0x224: {  	v5 =	vmov s9;
	v6 =	vmov s30;
	v29 =	vshll.u32 v20, $0x7;
	v21 =	vld.idx.msk [tilespmem:v1+s15+$0x0], $0xffff  }
0x225: {  	v2 =	vadd.s32 s30, v47;
	v1 =	vand.u32 $0xF, v4;
	v4 =	vand.u32 $0x30, v5;
	v0 =	vld.idx.msk [tilespmem:v0+s7+$0x0], $0xffff  }
0x226: {  	v6 =	vand.u32 $0x30, v6;
	v2 =	vand.u32 $0xF, v2;
	v23 =	vor.u32 v4, v1;
	v3 =	vld.idx.msk [tilespmem:v3+s7+$0x0], $0xffff  }
0x227: {  	v5 =	vor.u32 v47, v22;
	v27 =	vor.u32 v6, v2;
	v2 =	vor.u32 v11, v23  }
0x228: {  	v7 =	vor.u32 v54, v17;
	v8 =	vor.u32 v47, v29  }
0x229: {  	v1 =	vor.u32 v54, v20  }
0x22a: {  	v4 =	vor.u32 v14, v23;
	v0 =	vadd.f32 v0, v16  }
0x22b: {  	v3 =	vadd.f32 v3, v21  }
0x22c: {  	v2 =	vld.idx.msk [tilespmem:v2+s7+$0x0], $0xffff;
	[tilespmem:v5+s8+$0x0] =	vst.idx.msk $0xffff, v0  }
0x22d: {  	v6 =	vor.u32 v11, v27;
	[tilespmem:v8+s8+$0x0] =	vst.idx.msk $0xffff, v3;
	v5 =	vld.idx.msk [tilespmem:v7+s7+$0x0], $0xffff  }
0x22e: {  	v0 =	vor.u32 v14, v27;
	v1 =	vld.idx.msk [tilespmem:v1+s7+$0x0], $0xffff  }
0x22f: {  	v19 =	vld.idx.msk [tilespmem:v4+s15+$0x0], $0xffff;
	v3 =	vor.u32 v51, v22  }
0x230: {  	v32 =	vshll.u32 v23, $0x7;
	v4 =	vor.u32 v51, v29  }
0x231: {  	v50 =	vor.u32 v44, v17;
	v8 =	vor.u32 v47, v32  }
0x232: {  	v6 =	vld.idx.msk [tilespmem:v6+s7+$0x0], $0xffff;
	v5 =	vadd.f32 v5, v16  }
0x233: {  	v13 =	vld.idx.msk [tilespmem:v0+s15+$0x0], $0xffff;
	v1 =	vadd.f32 v1, v21  }
0x234: {  	v34 =	vshll.u32 v27, $0x7;
	v2 =	vadd.f32 v2, v19;
	v0 =	vor.u32 v44, v20;
	[tilespmem:v3+s8+$0x0] =	vst.idx.msk $0xffff, v5  }
0x235: {  	v3 =	vor.u32 v54, v23;
	[tilespmem:v4+s8+$0x0] =	vst.idx.msk $0xffff, v1;
	v1 =	vor.u32 v47, v34  }
0x236: {  	s14 =	simm.s32 $0x5;
	[tilespmem:v8+s8+$0x0] =	vst.idx.msk $0xffff, v2;
	v8 =	vor.u32 v54, v27;
	v5 =	vld.idx.msk [tilespmem:v50+s7+$0x0], $0xffff  }
0x237: {  	v37 =	vmov s14;
	v38 =	vadd.s32 s14, v47  }
0x238: {  	v38 =	vand.u32 $0xF, v38;
	v9 =	vor.u32 v10, v22;
	s20 =	simm.s32 $0x6;
	v4 =	vadd.f32 v6, v13  }
0x239: {  	v25 =	vor.u32 v57, v17;
	v30 =	vor.u32 v58, v22;
	v39 =	vadd.s32 s20, v47;
	s0 =	simm.s32 $0x4;
	v0 =	vld.idx.msk [tilespmem:v0+s7+$0x0], $0xffff  }
0x23a: {  	v55 =	vand.u32 $0xF, v39;
	v26 =	vor.u32 v57, v20;
	v36 =	vadd.s32 s0, v47;
	s30 =	simm.s32 $0x7;
	v3 =	vld.idx.msk [tilespmem:v3+s7+$0x0], $0xffff;
	[tilespmem:v1+s8+$0x0] =	vst.idx.msk $0xffff, v4  }
0x23b: {  	v53 =	vadd.s32 s30, v47;
	v1 =	vor.u32 v10, v29;
	v5 =	vadd.f32 v5, v16;
	v8 =	vld.idx.msk [tilespmem:v8+s7+$0x0], $0xffff  }
0x23c: {  	v33 =	vor.u32 v44, v27;
	v35 =	vor.u32 v51, v32;
	v40 =	vor.u32 v51, v34  }
0x23d: {  	v4 =	vor.u32 v44, v23;
	[tilespmem:v9+s8+$0x0] =	vst.idx.msk $0xffff, v5;
	v5 =	vand.u32 $0x30, v37;
	v9 =	vmov s30  }
0x23e: {  	v0 =	vadd.f32 v0, v21;
	v38 =	vor.u32 v5, v38;
	v5 =	vand.u32 $0x30, v9  }
0x23f: {  	v41 =	vld.idx.msk [tilespmem:v25+s7+$0x0], $0xffff;
	v9 =	vand.u32 $0xF, v53;
	v25 =	vmov s0;
	v3 =	vadd.f32 v3, v19  }
0x240: {  	v39 =	vor.u32 v5, v9;
	v5 =	vmov s20;
	[tilespmem:v1+s8+$0x0] =	vst.idx.msk $0xffff, v0;
	v8 =	vadd.f32 v8, v13  }
0x241: {  	v45 =	vshll.u32 v38, $0x7;
	v9 =	vor.u32 v14, v39;
	[tilespmem:v35+s8+$0x0] =	vst.idx.msk $0xffff, v3;
	v3 =	vor.u32 v14, v38  }
0x242: {  	v5 =	vand.u32 $0x30, v5;
	v1 =	vld.idx.msk [tilespmem:v26+s7+$0x0], $0xffff;
	v26 =	vand.u32 $0x30, v25;
	v25 =	vor.u32 v60, v45;
	[tilespmem:v40+s8+$0x0] =	vst.idx.msk $0xffff, v8  }
0x243: {  	v43 =	vor.u32 v11, v38;
	v0 =	vand.u32 $0xF, v36;
	v35 =	vor.u32 v5, v55;
	v4 =	vld.idx.msk [tilespmem:v4+s7+$0x0], $0xffff;
	[tilespmem:$0x1FE70] =	vst v25  }
0x244: {  	v24 =	vor.u32 v60, v29;
	v37 =	vor.u32 v26, v0;
	v56 =	vor.u32 v11, v35;
	v5 =	vld.idx.msk [tilespmem:v33+s7+$0x0], $0xffff  }
0x245: {  	v48 =	vor.u32 v63, v23;
	v28 =	vor.u32 v10, v32;
	v40 =	vor.u32 v14, v37  }
0x246: {  	v2 =	vor.u32 v10, v34;
	v8 =	vor.u32 v11, v39;
	v26 =	vld.idx.msk [tilespmem:v3+s15+$0x0], $0xffff;
	[tilespmem:$0x1FE80] =	vst v14  }
0x247: {  	v52 =	vor.u32 v57, v23;
	v61 =	vor.u32 v57, v27;
	v0 =	vadd.f32 v41, v16;
	v49 =	vld.idx.msk [tilespmem:v9+s15+$0x0], $0xffff  }
0x248: {  	v47 =	vor.u32 v31, v29;
	v6 =	vor.u32 v62, v17;
	v4 =	vadd.f32 v4, v19;
	v9 =	vld.idx.msk [tilespmem:v43+s7+$0x0], $0xffff  }
0x249: {  	[tilespmem:v30+s8+$0x0] =	vst.idx.msk $0xffff, v0;
	v0 =	vor.u32 v11, v37;
	v53 =	vld.idx.msk [tilespmem:v56+s7+$0x0], $0xffff;
	v5 =	vadd.f32 v5, v13  }
0x24a: {  	v50 =	vor.u32 v60, v22;
	v3 =	vor.u32 v14, v35;
	v51 =	vld.idx.msk [tilespmem:v40+s15+$0x0], $0xffff;
	[tilespmem:v28+s8+$0x0] =	vst.idx.msk $0xffff, v4  }
0x24b: {  	v44 =	vor.u32 v31, v34;
	v4 =	vld.idx.msk [tilespmem:v8+s7+$0x0], $0xffff;
	[tilespmem:v2+s8+$0x0] =	vst.idx.msk $0xffff, v5;
	v5 =	vor.u32 v60, v32  }
0x24c: {  	v10 =	vlaneseq.u32;
	v36 =	vor.u32 v15, v27;
	v8 =	vor.u32 v58, v29;
	v7 =	vld.idx.msk [tilespmem:v52+s7+$0x0], $0xffff;
	[tilespmem:$0x1FE90] =	vst v5  }
0x24d: {  	v42 =	vshll.u32 v39, $0x7;
	v55 =	vor.u32 v63, v20;
	v11 =	vmovc v54;
	v54 =	vor.u32 v62, v20;
	v5 =	vld.idx.msk [tilespmem:v6+s7+$0x0], $0xffff  }
0x24e: {  	v46 =	vor.u32 v63, v35;
	v25 =	vor.u32 v60, v34;
	v2 =	vor.u32 v58, v32;
	v0 =	vld.idx.msk [tilespmem:v0+s7+$0x0], $0xffff  }
0x24f: {  	v41 =	vor.u32 v15, v20;
	v1 =	vadd.f32 v1, v21;
	v6 =	vor.u32 v10, v45;
	v40 =	vld.idx.msk [tilespmem:v3+s15+$0x0], $0xffff  }
0x250: {  	v56 =	vor.u32 v10, v42;
	v57 =	vor.u32 v11, v39;
	v52 =	vor.u32 v11, v38;
	v61 =	vld.idx.msk [tilespmem:v61+s7+$0x0], $0xffff  }
0x251: {  	v33 =	vshll.u32 v37, $0x7;
	v3 =	vor.u32 v62, v23;
	[tilespmem:v8+s8+$0x0] =	vst.idx.msk $0xffff, v1;
	v7 =	vadd.f32 v7, v19  }
0x252: {  	v60 =	vor.u32 v59, v29;
	v9 =	vadd.f32 v9, v26;
	v8 =	vor.u32 v10, v33;
	v54 =	vld.idx.msk [tilespmem:v54+s7+$0x0], $0xffff  }
0x253: {  	v1 =	vor.u32 v58, v34;
	[tilespmem:v2+s8+$0x0] =	vst.idx.msk $0xffff, v7;
	v2 =	vadd.f32 v4, v49  }
0x254: {  	[tilespmem:v6+s8+$0x0] =	vst.idx.msk $0xffff, v9;
	v6 =	vmov v59;
	v59 =	vadd.f32 v5, v16;
	v4 =	vadd.f32 v0, v51  }
0x255: {  	v43 =	vshll.u32 v35, $0x7;
	v58 =	vadd.f32 v53, v40;
	v53 =	vadd.f32 v61, v13;
	[tilespmem:v56+s8+$0x0] =	vst.idx.msk $0xffff, v2  }
0x256: {  	v2 =	vor.u32 v62, v27;
	v62 =	vld.idx.msk [tilespmem:v3+s7+$0x0], $0xffff;
	v0 =	vor.u32 v6, v22;
	v56 =	vor.u32 v63, v17  }
0x257: {  	s3 =	simm.s32 $0x8;
	v63 =	vor.u32 v6, v32;
	[tilespmem:v8+s8+$0x0] =	vst.idx.msk $0xffff, v4;
	v61 =	vld.idx.msk [tilespmem:v57+s7+$0x0], $0xffff;
	v3 =	vadd.f32 v54, v21  }
.LBB2_12:
0x258: {  	v4 =	vld.idx.msk [tilespmem:v52+s7+$0x0], $0xffff  }
0x259: {  	v30 =	vld [tilespmem:$0x1FFD0]  }
0x25a: {  	v12 =	vmov v25;
	v25 =	vmov v24;
	v24 =	vld [tilespmem:$0x1FF80]  }
0x25b: {  	v14 =	vld [tilespmem:$0x1FF30]  }
0x25c: {  	v18 =	vld [tilespmem:$0x1FFE0]  }
0x25d: {  	v11 =	vld [tilespmem:$0x1FF40]  }
0x25e: {  	v31 =	vld [tilespmem:$0x1FFF0]  }
0x25f: {  	v54 =	vmov v16;
	v15 =	vld [tilespmem:$0x1FF20];
	[tilespmem:v1+s8+$0x0] =	vst.idx.msk $0xffff, v53  }
0x260: {  	v16 =	vmovc v49;
	v52 =	vmov v50;
	v53 =	vmov v13;
	[tilespmem:v60+s8+$0x0] =	vst.idx.msk $0xffff, v3;
	v8 =	vadd.f32 v62, v19;
	v62 =	vld [tilespmem:$0x1FF60]  }
0x261: {  	[tilespmem:v0+s8+$0x0] =	vst.idx.msk $0xffff, v59;
	v60 =	vor.u32 v10, v43;
	v2 =	vld.idx.msk [tilespmem:v2+s7+$0x0], $0xffff;
	v6 =	vor.u32 v24, v42  }
0x262: {  	v28 =	vld [tilespmem:$0x1FF70];
	v13 =	vmovc v51;
	v57 =	vor.u32 v30, v23;
	v5 =	vor.u32 v24, v45;
	v3 =	vor.u32 v14, v20  }
0x263: {  	v49 =	vld.idx.msk [tilespmem:v56+s7+$0x0], $0xffff;
	v50 =	vor.u32 v18, v22;
	v51 =	vor.u32 v11, v34;
	v59 =	vor.u32 v14, v27  }
0x264: {  	v20 =	vmovc v38;
	v38 =	vadd.f32 v61, v16;
	v27 =	vor.u32 v31, v27;
	v56 =	vor.u32 v15, v22  }
0x265: {  	v7 =	vld.idx.msk [tilespmem:v55+s7+$0x0], $0xffff;
	v4 =	vadd.f32 v4, v26;
	[tilespmem:v63+s8+$0x0] =	vst.idx.msk $0xffff, v8;
	v0 =	vor.u32 v62, v39  }
0x266: {  	v48 =	vld.idx.msk [tilespmem:v48+s7+$0x0], $0xffff;
	v2 =	vadd.f32 v2, v53;
	v8 =	vor.u32 v62, v20;
	[tilespmem:v6+s8+$0x0] =	vst.idx.msk $0xffff, v38  }
0x267: {  	v61 =	vor.u32 v14, v17;
	v22 =	vmov v42;
	v42 =	vor.u32 v15, v32;
	v63 =	vld [tilespmem:$0x1FFA0];
	[tilespmem:v5+s8+$0x0] =	vst.idx.msk $0xffff, v4  }
0x268: {  	v6 =	vor.u32 v28, v35;
	v4 =	vor.u32 v15, v29;
	v29 =	vmov v45;
	[tilespmem:v51+s8+$0x0] =	vst.idx.msk $0xffff, v2;
	v45 =	vld [tilespmem:$0x1FF50]  }
0x269: {  	v1 =	vor.u32 v30, v17;
	v5 =	vadd.f32 v49, v54;
	v2 =	vor.u32 v15, v34;
	v34 =	vld.idx.msk [tilespmem:v27+s7+$0x0], $0xffff  }
0x26a: {  	v9 =	vor.u32 v18, v32;
	v17 =	vmov v39;
	v23 =	vor.u32 v14, v23;
	v0 =	vld.idx.msk [tilespmem:v0+s7+$0x0], $0xffff  }
0x26b: {  	v7 =	vadd.f32 v7, v21;
	v14 =	vadd.f32 v48, v19;
	v8 =	vld.idx.msk [tilespmem:v8+s7+$0x0], $0xffff;
	[tilespmem:v56+s8+$0x0] =	vst.idx.msk $0xffff, v5  }
0x26c: {  	[tilespmem:v60+s8+$0x0] =	vst.idx.msk $0xffff, v58;
	v38 =	vor.u32 v28, v37;
	v51 =	vor.u32 v63, v35;
	v5 =	vld.idx.msk [tilespmem:v61+s7+$0x0], $0xffff  }
0x26d: {  	v32 =	vor.u32 v63, v17;
	v27 =	vmov v37;
	v6 =	vld.idx.msk [tilespmem:v6+s7+$0x0], $0xffff;
	[tilespmem:v42+s8+$0x0] =	vst.idx.msk $0xffff, v14  }
0x26e: {  	v58 =	vor.u32 v62, v27;
	v39 =	vor.u32 v45, v22;
	[tilespmem:v4+s8+$0x0] =	vst.idx.msk $0xffff, v7;
	v14 =	vld [tilespmem:$0x1FFB0]  }
0x26f: {  	s0 =	smov.u32 s3;
	v48 =	vor.u32 v62, v35;
	v56 =	vor.u32 v45, v33;
	v4 =	vor.u32 v63, v20;
	v3 =	vld.idx.msk [tilespmem:v3+s7+$0x0], $0xffff  }
0x270: {  	s9 =	sadd.s32 $0x1, s0;
	v7 =	vor.u32 v45, v43;
	v42 =	vor.u32 v24, v43;
	v37 =	vld.idx.msk [tilespmem:v23+s7+$0x0], $0xffff;
	v60 =	vadd.f32 v34, v53  }
0x271: {  	v45 =	vor.u32 v45, v29;
	v61 =	vld.idx.msk [tilespmem:v38+s7+$0x0], $0xffff;
	v38 =	vadd.s32 s9, v10;
	v0 =	vadd.f32 v0, v16  }
0x272: {  	s14 =	sadd.s32 $0x2, s0;
	v15 =	vld [tilespmem:$0x1FF90];
	v23 =	vmovc v35;
	v35 =	vadd.s32 s0, v10;
	[tilespmem:v2+s8+$0x0] =	vst.idx.msk $0xffff, v60;
	v2 =	vand.u32 $0xF, v38;
	v8 =	vadd.f32 v8, v26  }
0x273: {  	v60 =	vmov s14;
	v59 =	vld.idx.msk [tilespmem:v59+s7+$0x0], $0xffff;
	v49 =	vor.u32 v14, v22;
	v6 =	vadd.f32 v6, v40;
	[tilespmem:v39+s8+$0x0] =	vst.idx.msk $0xffff, v0  }
0x274: {  	v34 =	vmovc v33;
	v0 =	vadd.f32 v5, v54;
	v39 =	vadd.s32 s14, v10;
	v3 =	vadd.f32 v3, v21;
	v62 =	vld.idx.msk [tilespmem:v32+s7+$0x0], $0xffff  }
0x275: {  	s20 =	sadd.s32 $0x3, s0;
	v5 =	vmov s9;
	v32 =	vmovc v43;
	v43 =	vor.u32 v24, v34;
	[tilespmem:v42+s8+$0x0] =	vst.idx.msk $0xffff, v6;
	v6 =	vadd.f32 v37, v19;
	v24 =	vld [tilespmem:$0x1FE80]  }
0x276: {  	v42 =	vmov s20;
	[tilespmem:v50+s8+$0x0] =	vst.idx.msk $0xffff, v0;
	v0 =	vand.u32 $0x30, v5;
	v5 =	vand.u32 $0xF, v39;
	v50 =	vld.idx.msk [tilespmem:v48+s7+$0x0], $0xffff  }
0x277: {  	[tilespmem:v47+s8+$0x0] =	vst.idx.msk $0xffff, v3;
	v1 =	vld.idx.msk [tilespmem:v1+s7+$0x0], $0xffff;
	v38 =	vor.u32 v0, v2;
	v0 =	vadd.s32 s20, v10;
	v2 =	vand.u32 $0x30, v42  }
0x278: {  	[tilespmem:v9+s8+$0x0] =	vst.idx.msk $0xffff, v6;
	v6 =	vand.u32 $0x30, v60;
	v9 =	vadd.f32 v61, v13;
	v60 =	vld [tilespmem:$0x1FF10];
	v0 =	vand.u32 $0xF, v0  }
0x279: {  	v41 =	vld.idx.msk [tilespmem:v41+s7+$0x0], $0xffff;
	[tilespmem:v45+s8+$0x0] =	vst.idx.msk $0xffff, v8;
	v39 =	vor.u32 v2, v0;
	v0 =	vadd.f32 v59, v53  }
0x27a: {  	v35 =	vand.u32 $0xF, v35;
	v48 =	vmovc v46;
	v46 =	vmovc v19;
	v19 =	vmov v40;
	v3 =	vld.idx.msk [tilespmem:v57+s7+$0x0], $0xffff;
	v57 =	vmov s0;
	[tilespmem:v43+s8+$0x0] =	vst.idx.msk $0xffff, v9  }
0x27b: {  	v2 =	vand.u32 $0x30, v57;
	v40 =	vor.u32 v24, v38;
	[tilespmem:v44+s8+$0x0] =	vst.idx.msk $0xffff, v0;
	v0 =	vadd.f32 v62, v16  }
0x27c: {  	v4 =	vld.idx.msk [tilespmem:v4+s7+$0x0], $0xffff;
	v8 =	vor.u32 v24, v39;
	v37 =	vor.u32 v2, v35;
	v35 =	vor.u32 v6, v5  }
0x27d: {  	v5 =	vor.u32 v24, v35;
	[tilespmem:v49+s8+$0x0] =	vst.idx.msk $0xffff, v0;
	v0 =	vor.u32 v24, v37;
	v24 =	vld [tilespmem:$0x1FE90]  }
0x27e: {  	v55 =	vor.u32 v15, v17;
	v59 =	vld [tilespmem:$0x1FFC0];
	v47 =	vor.u32 v60, v38  }
0x27f: {  	v45 =	vshll.u32 v38, $0x7;
	v42 =	vshll.u32 v39, $0x7;
	v57 =	vor.u32 v60, v39;
	v2 =	vld.idx.msk [tilespmem:v36+s7+$0x0], $0xffff  }
0x280: {  	v44 =	vor.u32 v18, v34;
	v6 =	vor.u32 v60, v35;
	v62 =	vld.idx.msk [tilespmem:v58+s7+$0x0], $0xffff;
	v1 =	vadd.f32 v1, v54  }
0x281: {  	v58 =	vadd.f32 v50, v19;
	v61 =	vor.u32 v60, v37;
	v36 =	vor.u32 v30, v27;
	v54 =	vld.idx.msk [tilespmem:v40+s15+$0x0], $0xffff  }
0x282: {  	v60 =	vor.u32 v11, v29;
	v4 =	vadd.f32 v4, v26;
	v49 =	vld.idx.msk [tilespmem:v8+s15+$0x0], $0xffff;
	v8 =	vadd.f32 v41, v21  }
0x283: {  	v3 =	vadd.f32 v3, v46;
	v46 =	vor.u32 v31, v35;
	[tilespmem:v7+s8+$0x0] =	vst.idx.msk $0xffff, v58;
	v21 =	vld.idx.msk [tilespmem:v47+s7+$0x0], $0xffff  }
0x284: {  	v9 =	vor.u32 v59, v45;
	v50 =	vor.u32 v59, v22;
	v7 =	vld.idx.msk [tilespmem:v57+s7+$0x0], $0xffff;
	[tilespmem:v25+s8+$0x0] =	vst.idx.msk $0xffff, v8  }
0x285: {  	v58 =	vor.u32 v15, v23;
	v41 =	vor.u32 v30, v20;
	v6 =	vld.idx.msk [tilespmem:v6+s7+$0x0], $0xffff;
	[tilespmem:v24+s8+$0x0] =	vst.idx.msk $0xffff, v3  }
0x286: {  	v8 =	vor.u32 v14, v29;
	v2 =	vadd.f32 v2, v53;
	[tilespmem:v52+s8+$0x0] =	vst.idx.msk $0xffff, v1;
	v53 =	vld.idx.msk [tilespmem:v51+s7+$0x0], $0xffff  }
0x287: {  	v25 =	vor.u32 v59, v34;
	v1 =	vor.u32 v59, v32;
	v24 =	vor.u32 v63, v27;
	v51 =	vld.idx.msk [tilespmem:v0+s15+$0x0], $0xffff  }
0x288: {  	v3 =	vadd.f32 v62, v13;
	v0 =	vor.u32 v15, v20;
	v40 =	vld.idx.msk [tilespmem:v5+s15+$0x0], $0xffff;
	v5 =	vor.u32 v10, v42  }
0x289: {  	v47 =	vor.u32 v18, v29;
	v57 =	vor.u32 v28, v39;
	v62 =	vld [tilespmem:$0x1FE70];
	[tilespmem:v12+s8+$0x0] =	vst.idx.msk $0xffff, v2  }
0x28a: {  	v52 =	vor.u32 v28, v38;
	v2 =	vld.idx.msk [tilespmem:v55+s7+$0x0], $0xffff;
	[tilespmem:v56+s8+$0x0] =	vst.idx.msk $0xffff, v3;
	v56 =	vor.u32 v14, v32  }
0x28b: {  	v33 =	vshll.u32 v37, $0x7;
	[tilespmem:$0x1FE90] =	vst v1;
	v7 =	vadd.f32 v7, v49;
	v3 =	vld.idx.msk [tilespmem:v61+s7+$0x0], $0xffff;
	v61 =	vor.u32 v10, v45  }
0x28c: {  	v1 =	vor.u32 v14, v34;
	[tilespmem:v8+s8+$0x0] =	vst.idx.msk $0xffff, v4;
	v8 =	vor.u32 v10, v33;
	v63 =	vld.idx.msk [tilespmem:v24+s7+$0x0], $0xffff  }
0x28d: {  	p0 =	slt.u32 s3, $0x3C;
	v4 =	vld.idx.msk [tilespmem:v0+s7+$0x0], $0xffff;
	v12 =	vadd.f32 v53, v19;
	v0 =	vmov v9;
	[tilespmem:v5+s8+$0x0] =	vst.idx.msk $0xffff, v7  }
.Ltmp8:
0x28e: {  	v43 =	vshll.u32 v35, $0x7;
	v55 =	vor.u32 v31, v20;
	v14 =	vadd.f32 v21, v54;
	v21 =	vmovc v26;
	[tilespmem:$0x1FE70] =	vst v0;
	(pc) =	sbr.rel @p0 .LBB2_12-.Ltmp8, $4  }
0x28f: {  	v26 =	vmov v54;
	v59 =	vadd.f32 v2, v16;
	v2 =	vor.u32 v15, v27;
	[tilespmem:v56+s8+$0x0] =	vst.idx.msk $0xffff, v12  }
0x290: {  	v24 =	vmov v62;
	v0 =	vor.u32 v11, v22;
	v3 =	vadd.f32 v3, v51;
	[tilespmem:v61+s8+$0x0] =	vst.idx.msk $0xffff, v14  }
0x291: {  	v56 =	vor.u32 v31, v17;
	v62 =	vld.idx.msk [tilespmem:v58+s7+$0x0], $0xffff;
	v58 =	vadd.f32 v6, v40;
	v53 =	vadd.f32 v63, v13  }
0x292: {  	s3 =	sadd.s32 $0x4, s3;
	v61 =	vld.idx.msk [tilespmem:v57+s7+$0x0], $0xffff;
	[tilespmem:v8+s8+$0x0] =	vst.idx.msk $0xffff, v3;
	v63 =	vor.u32 v11, v32;
	v3 =	vadd.f32 v4, v21  }
0x293: {  	v4 =	vor.u32 v10, v43;
	v54 =	vld [tilespmem:$0x1FF70];
	_ =	sdelay $0x4  }
0x294: {  	v5 =	vor.u32 v54, v35;
	[tilespmem:v4+s8+$0x0] =	vst.idx.msk $0xffff, v58  }
0x295: {  	v28 =	vld [tilespmem:$0x1FF80];
	_ =	sdelay $0x2  }
0x296: {  	v4 =	vld.idx.msk [tilespmem:v52+s7+$0x0], $0xffff  }
0x297: {  	v5 =	vld.idx.msk [tilespmem:v5+s7+$0x0], $0xffff  }
0x298: {  	v7 =	vor.u32 v28, v45  }
0x299: {  	[tilespmem:v1+s8+$0x0] =	vst.idx.msk $0xffff, v53;
	v8 =	vor.u32 v28, v43  }
0x29a: {  	v6 =	vor.u32 v54, v37;
	v11 =	vld [tilespmem:$0x1FF60]  }
0x29b: {  	[tilespmem:v60+s8+$0x0] =	vst.idx.msk $0xffff, v3;
	v60 =	vadd.f32 v4, v26;
	v3 =	vor.u32 v28, v42  }
0x29c: {  	[tilespmem:v0+s8+$0x0] =	vst.idx.msk $0xffff, v59;
	v5 =	vadd.f32 v5, v40  }
0x29d: {  	v12 =	vadd.f32 v62, v19;
	[tilespmem:v7+s8+$0x0] =	vst.idx.msk $0xffff, v60  }
0x29e: {  	v10 =	vld [tilespmem:$0x1FF40];
	[tilespmem:v8+s8+$0x0] =	vst.idx.msk $0xffff, v5;
	v5 =	vadd.f32 v61, v49  }
0x29f: {  	v58 =	vor.u32 v11, v38;
	[tilespmem:v63+s8+$0x0] =	vst.idx.msk $0xffff, v12  }
0x2a0: {  	v6 =	vld.idx.msk [tilespmem:v6+s7+$0x0], $0xffff;
	[tilespmem:v3+s8+$0x0] =	vst.idx.msk $0xffff, v5  }
0x2a1: {  	v9 =	vor.u32 v11, v35;
	v53 =	vld [tilespmem:$0x1FF50]  }
0x2a2: {  	v4 =	vor.u32 v11, v39  }
0x2a3: {  	v2 =	vld.idx.msk [tilespmem:v2+s7+$0x0], $0xffff;
	v62 =	vor.u32 v28, v33  }
0x2a4: {  	v7 =	vor.u32 v11, v37;
	v1 =	vld.idx.msk [tilespmem:v58+s7+$0x0], $0xffff  }
0x2a5: {  	v18 =	vor.u32 v10, v34  }
0x2a6: {  	v6 =	vadd.f32 v6, v51;
	v8 =	vld.idx.msk [tilespmem:v9+s7+$0x0], $0xffff;
	v3 =	vor.u32 v53, v45  }
0x2a7: {  	v4 =	vld.idx.msk [tilespmem:v4+s7+$0x0], $0xffff  }
0x2a8: {  	v2 =	vadd.f32 v2, v13;
	v57 =	vld [tilespmem:$0x1FFA0];
	[tilespmem:v62+s8+$0x0] =	vst.idx.msk $0xffff, v6;
	v9 =	vor.u32 v53, v43  }
0x2a9: {  	v58 =	vld.idx.msk [tilespmem:v7+s7+$0x0], $0xffff;
	v1 =	vadd.f32 v1, v26;
	v7 =	vor.u32 v53, v42  }
0x2aa: {  	[tilespmem:v18+s8+$0x0] =	vst.idx.msk $0xffff, v2  }
0x2ab: {  	v59 =	vld.idx.msk [tilespmem:v56+s7+$0x0], $0xffff;
	v8 =	vadd.f32 v8, v40;
	[tilespmem:v3+s8+$0x0] =	vst.idx.msk $0xffff, v1  }
0x2ac: {  	v4 =	vadd.f32 v4, v49;
	v18 =	vld [tilespmem:$0x1FF20]  }
0x2ad: {  	v12 =	vld.idx.msk [tilespmem:v48+s7+$0x0], $0xffff;
	v5 =	vor.u32 v57, v38;
	[tilespmem:v9+s8+$0x0] =	vst.idx.msk $0xffff, v8  }
0x2ae: {  	v6 =	vor.u32 v57, v35;
	v48 =	vor.u32 v53, v33;
	v63 =	vld [tilespmem:$0x1FFF0];
	[tilespmem:v7+s8+$0x0] =	vst.idx.msk $0xffff, v4  }
0x2af: {  	v0 =	vadd.f32 v58, v51;
	v3 =	vor.u32 v57, v37;
	v58 =	vld [tilespmem:$0x1FFB0]  }
0x2b0: {  	v52 =	vor.u32 v57, v39  }
0x2b1: {  	v1 =	vor.u32 v18, v22  }
0x2b2: {  	v5 =	vld.idx.msk [tilespmem:v5+s7+$0x0], $0xffff  }
0x2b3: {  	v6 =	vld.idx.msk [tilespmem:v6+s7+$0x0], $0xffff;
	[tilespmem:v48+s8+$0x0] =	vst.idx.msk $0xffff, v0;
	v9 =	vor.u32 v18, v32;
	v8 =	vor.u32 v63, v27  }
0x2b4: {  	v2 =	vadd.f32 v59, v16;
	v59 =	vld.idx.msk [tilespmem:v3+s7+$0x0], $0xffff;
	v4 =	vor.u32 v58, v45  }
0x2b5: {  	v7 =	vor.u32 v18, v29;
	v29 =	vadd.f32 v12, v19;
	v12 =	vld.idx.msk [tilespmem:v52+s7+$0x0], $0xffff  }
0x2b6: {  	v3 =	vld.idx.msk [tilespmem:v55+s7+$0x0], $0xffff;
	v56 =	vor.u32 v58, v43;
	[tilespmem:v1+s8+$0x0] =	vst.idx.msk $0xffff, v2  }
0x2b7: {  	v5 =	vadd.f32 v5, v26;
	v60 =	vor.u32 v58, v42;
	v62 =	vld [tilespmem:$0x1FF90]  }
0x2b8: {  	[tilespmem:v9+s8+$0x0] =	vst.idx.msk $0xffff, v29;
	v8 =	vld.idx.msk [tilespmem:v8+s7+$0x0], $0xffff;
	v29 =	vor.u32 v58, v33  }
0x2b9: {  	[tilespmem:v4+s8+$0x0] =	vst.idx.msk $0xffff, v5;
	v4 =	vadd.f32 v6, v40  }
0x2ba: {  	v55 =	vor.u32 v18, v34;
	v12 =	vadd.f32 v12, v49  }
0x2bb: {  	v15 =	vld [tilespmem:$0x1FF30];
	[tilespmem:v56+s8+$0x0] =	vst.idx.msk $0xffff, v4;
	v56 =	vadd.f32 v59, v51  }
0x2bc: {  	[tilespmem:v60+s8+$0x0] =	vst.idx.msk $0xffff, v12;
	v59 =	vadd.f32 v3, v21;
	v0 =	vor.u32 v62, v38  }
0x2bd: {  	v61 =	vor.u32 v62, v35;
	v8 =	vadd.f32 v8, v13;
	[tilespmem:v29+s8+$0x0] =	vst.idx.msk $0xffff, v56  }
0x2be: {  	v9 =	vor.u32 v62, v39;
	[tilespmem:v7+s8+$0x0] =	vst.idx.msk $0xffff, v59  }
0x2bf: {  	v5 =	vor.u32 v62, v37;
	[tilespmem:v55+s8+$0x0] =	vst.idx.msk $0xffff, v8  }
0x2c0: {  	v6 =	vor.u32 v15, v17;
	v31 =	vld [tilespmem:$0x1FFE0]  }
0x2c1: {  	v0 =	vld.idx.msk [tilespmem:v0+s7+$0x0], $0xffff  }
0x2c2: {  	v4 =	vld.idx.msk [tilespmem:v61+s7+$0x0], $0xffff  }
0x2c3: {  	v12 =	vor.u32 v10, v45;
	v3 =	vor.u32 v15, v23;
	v9 =	vld.idx.msk [tilespmem:v9+s7+$0x0], $0xffff  }
0x2c4: {  	v60 =	vor.u32 v63, v38;
	v61 =	vor.u32 v10, v43;
	v5 =	vld.idx.msk [tilespmem:v5+s7+$0x0], $0xffff  }
0x2c5: {  	v6 =	vld.idx.msk [tilespmem:v6+s7+$0x0], $0xffff  }
0x2c6: {  	v7 =	vor.u32 v10, v42;
	v0 =	vadd.f32 v0, v26  }
0x2c7: {  	v52 =	vor.u32 v63, v37;
	v48 =	vor.u32 v31, v22;
	v4 =	vadd.f32 v4, v40  }
0x2c8: {  	v29 =	vor.u32 v10, v33;
	v8 =	vor.u32 v63, v39;
	v3 =	vld.idx.msk [tilespmem:v3+s7+$0x0], $0xffff;
	[tilespmem:v12+s8+$0x0] =	vst.idx.msk $0xffff, v0  }
0x2c9: {  	v55 =	vor.u32 v15, v20;
	v9 =	vadd.f32 v9, v49;
	[tilespmem:v61+s8+$0x0] =	vst.idx.msk $0xffff, v4;
	v1 =	vld.idx.msk [tilespmem:v60+s7+$0x0], $0xffff  }
0x2ca: {  	v56 =	vadd.f32 v5, v51;
	v4 =	vor.u32 v31, v32;
	v5 =	vadd.f32 v6, v16;
	v6 =	vld.idx.msk [tilespmem:v46+s7+$0x0], $0xffff  }
0x2cb: {  	[tilespmem:v7+s8+$0x0] =	vst.idx.msk $0xffff, v9;
	v9 =	vor.u32 v18, v45  }
0x2cc: {  	v7 =	vor.u32 v15, v27;
	[tilespmem:v48+s8+$0x0] =	vst.idx.msk $0xffff, v5;
	v5 =	vor.u32 v18, v43  }
0x2cd: {  	[tilespmem:v29+s8+$0x0] =	vst.idx.msk $0xffff, v56;
	v3 =	vadd.f32 v3, v19;
	v8 =	vld.idx.msk [tilespmem:v8+s7+$0x0], $0xffff  }
0x2ce: {  	v59 =	vor.u32 v15, v38;
	v61 =	vor.u32 v18, v42;
	v60 =	vld.idx.msk [tilespmem:v52+s7+$0x0], $0xffff;
	v1 =	vadd.f32 v1, v26  }
0x2cf: {  	v0 =	vld.idx.msk [tilespmem:v55+s7+$0x0], $0xffff;
	v32 =	vor.u32 v15, v35;
	[tilespmem:v4+s8+$0x0] =	vst.idx.msk $0xffff, v3;
	v4 =	vadd.f32 v6, v40  }
0x2d0: {  	v10 =	vor.u32 v18, v33;
	v29 =	vor.u32 v15, v39;
	[tilespmem:v9+s8+$0x0] =	vst.idx.msk $0xffff, v1  }
0x2d1: {  	v3 =	vor.u32 v15, v37;
	v34 =	vld.idx.msk [tilespmem:v7+s7+$0x0], $0xffff;
	[tilespmem:v5+s8+$0x0] =	vst.idx.msk $0xffff, v4  }
0x2d2: {  	v6 =	vadd.f32 v8, v49;
	v15 =	vld [tilespmem:$0x1FFD0]  }
0x2d3: {  	v5 =	vadd.f32 v60, v51;
	v2 =	vld.idx.msk [tilespmem:v59+s7+$0x0], $0xffff  }
0x2d4: {  	v0 =	vadd.f32 v0, v21;
	[tilespmem:v61+s8+$0x0] =	vst.idx.msk $0xffff, v6;
	v7 =	vld.idx.msk [tilespmem:v32+s7+$0x0], $0xffff  }
0x2d5: {  	[tilespmem:v10+s8+$0x0] =	vst.idx.msk $0xffff, v5;
	v5 =	vor.u32 v31, v45;
	v8 =	vld.idx.msk [tilespmem:v29+s7+$0x0], $0xffff  }
0x2d6: {  	v9 =	vor.u32 v31, v43;
	[tilespmem:v47+s8+$0x0] =	vst.idx.msk $0xffff, v0;
	v3 =	vld.idx.msk [tilespmem:v3+s7+$0x0], $0xffff  }
0x2d7: {  	v1 =	vadd.f32 v34, v13;
	v45 =	vor.u32 v31, v42;
	v6 =	vor.u32 v15, v17;
	v17 =	vld.idx.msk [tilespmem:v41+s7+$0x0], $0xffff  }
0x2d8: {  	v46 =	vor.u32 v31, v33;
	v2 =	vadd.f32 v2, v26  }
0x2d9: {  	[tilespmem:v44+s8+$0x0] =	vst.idx.msk $0xffff, v1;
	v7 =	vadd.f32 v7, v40  }
0x2da: {  	[tilespmem:v5+s8+$0x0] =	vst.idx.msk $0xffff, v2;
	v5 =	vadd.f32 v8, v49  }
0x2db: {  	v4 =	vor.u32 v15, v23;
	[tilespmem:v9+s8+$0x0] =	vst.idx.msk $0xffff, v7;
	v3 =	vadd.f32 v3, v51  }
0x2dc: {  	[tilespmem:v45+s8+$0x0] =	vst.idx.msk $0xffff, v5;
	v5 =	vadd.f32 v17, v21  }
0x2dd: {  	v52 =	vld.idx.msk [tilespmem:v36+s7+$0x0], $0xffff;
	v41 =	vor.u32 v15, v35;
	[tilespmem:v46+s8+$0x0] =	vst.idx.msk $0xffff, v3  }
0x2de: {  	v48 =	vld.idx.msk [tilespmem:v6+s7+$0x0], $0xffff;
	[tilespmem:v24+s8+$0x0] =	vst.idx.msk $0xffff, v5  }
0x2df: {  	v9 =	vld [tilespmem:$0x1FE90]  }
0x2e0: {  	v4 =	vld.idx.msk [tilespmem:v4+s7+$0x0], $0xffff  }
0x2e1: {  	v47 =	vor.u32 v15, v39  }
0x2e2: {  	v6 =	vor.u32 v15, v37;
	v7 =	vld.idx.msk [tilespmem:v41+s7+$0x0], $0xffff  }
0x2e3: {  	v2 =	vadd.f32 v52, v13;
	v60 =	vld [tilespmem:$0x1FFC0]  }
0x2e4: {  	v38 =	vor.u32 v15, v38;
	v1 =	vadd.f32 v48, v16  }
0x2e5: {  	[tilespmem:v25+s8+$0x0] =	vst.idx.msk $0xffff, v2;
	v3 =	vadd.f32 v4, v19  }
0x2e6: {  	v4 =	vld.idx.msk [tilespmem:v47+s7+$0x0], $0xffff;
	[tilespmem:v50+s8+$0x0] =	vst.idx.msk $0xffff, v1  }
0x2e7: {  	v6 =	vld.idx.msk [tilespmem:v6+s7+$0x0], $0xffff;
	[tilespmem:v9+s8+$0x0] =	vst.idx.msk $0xffff, v3  }
0x2e8: {  	v56 =	vadd.f32 v7, v40;
	v5 =	vor.u32 v60, v43;
	v7 =	vld [tilespmem:$0x1FE70]  }
0x2e9: {  	v0 =	vld.idx.msk [tilespmem:v38+s7+$0x0], $0xffff;
	v55 =	vor.u32 v60, v33  }
0x2ea: {  	v3 =	vor.u32 v60, v42;
	_ =	sdelay $0x1  }
0x2eb: {  	v61 =	vadd.f32 v6, v51  }
.Ltmp9:
0x2ec: {  	s0 =	sshll.u32 s17, $0x12;
	v59 =	vadd.f32 v4, v49;
	[tilespmem:v5+s8+$0x0] =	vst.idx.msk $0xffff, v56;
	(pc) =	sbr.rel .LBB2_2-.Ltmp9, $4  }
0x2ed: {  	s0 =	sor.u32 s5, s0;
	v0 =	vadd.f32 v0, v26;
	[tilespmem:v55+s8+$0x0] =	vst.idx.msk $0xffff, v61  }
0x2ee: {  	s0 =	sshrl.u32 s0, $0x3;
	[tilespmem:v3+s8+$0x0] =	vst.idx.msk $0xffff, v59  }
0x2ef: {  	s11 =	sadd.s32 $0x1, s11;
	s0 =	sadd.s32 s1, s0;
	[tilespmem:v7+s8+$0x0] =	vst.idx.msk $0xffff, v0  }
0x2f0: {  	v10 =	vmovc v53;
	v44 =	vmov v11;
	v47 =	vlaneseq.u32;
	v51 =	vmov v28;
	[hbm4b:s0+s12] =	stream.strided.scatter [tilespmem:s8], [sflag:$0x6], $0x2000, s13, s12, $0x38;
	v4 =	vld [tilespmem:$0x1FF10]  }
.LBB2_15:
0x2f1: {  	_ =	sfence.sel $0x180000  }
0x2f2: {  	[bflag:$0x0] =	sbarrier.arrive $0xFFFF  }
0x2f3: {  	_ =	strace $0x90000047  }
0x2f4: {  	s0 =	stileid.u32;
	[bflag:$0x2] =	sbarrier.arrive $0xFFFF  }
0x2f5: {  	p0 =	sne.s32 s0, $0x0;
	s0 =	rddreg [dreg:$0x4]  }
0x2f6: {  	s0 =	sadd.s32 @!p0 $0x100000, s0  }
0x2f7: {  	[sflag:s0] =	ssyncadd.tile.s32 @!p0 $0x1;
	_ =	shalt  }
.Lfunc_end2:
_tile_overlayer_lowered:
.L_overlay_start_2:
0x2f8: {  	(tag) =	ssettag $0x2  }
0x2f9: {  	s0 =	rddreg [dreg:$0x0];
	s2 =	stileid.u32  }
0x2fa: {  	s1 =	rddreg [dreg:$0x1];
	p0 =	sne.s32 s2, $0x0  }
0x2fb: {  	s3 =	rddreg [dreg:$0x2];
	[bflag:$0x3] =	sbarrier.arrive $0xFFFF;
	s2 =	simm.s32 @!p0 $0x1C08  }
0x2fc: {  	[timem:s3], [sflag:s2] =	dma.local @!p0 [hbm:s0], s1  }
0x2fd: {  	s0 =	simm.s32 @!p0 $0x8  }
0x2fe: {  	_ =	swait.ge @!p0 [sflag:s0], s1  }
0x2ff: {  	s1 =	ssub.s32 @!p0 $0x0, s1;
	[sflag:s0] =	ssyncset.done @!p0 $0x0  }
0x300: {  	[sflag:s0] =	ssyncadd.s32 @!p0 s1  }
0x301: {  	[bflag:$0x3] =	sbarrier.arrive $0xFFFF  }
0x302: {  	_ =	shalt  }

</sc_bundles>
